<compile_context>
chip_gen: v7x
topology: tpu7x:2x2x1
jax: 0.10.2.dev20260603
libtpu: 0.0.44.dev20260713+nightly
codegen_flags: <defaults>
</compile_context>

<pallas_src>
import functools

import numpy as np

import jax
import jax.numpy as jnp
from jax import lax
from jax.experimental import pallas as pl
from jax.experimental.pallas import tpu as pltpu
from jax.experimental.pallas import tpu_sc as plsc

N_NODES = 10000
N_EDGES = 320000
D = 128

NC = 2
NS = 16
NW = NC * NS

CHUNK = 128
NCHUNK = 80
E_TILE = CHUNK * NCHUNK
E_PAD = E_TILE * NW

AGG_ROWS = 10112
ROWS_PER_TILE = AGG_ROWS // NS


def _unpack_chunk(pk_v, j, src_b, dst_b):
    for r in range(CHUNK // 16):
        v = pk_v[pl.ds(j * CHUNK + 16 * r, 16)]
        src_b[pl.ds(16 * r, 16)] = lax.bitwise_and(v, 0xFFFF)
        dst_b[pl.ds(16 * r, 16)] = lax.shift_right_logical(v, 16)


def _sc_agg_body(x_hbm, pk_hbm, z_hbm, p_hbm,
                 pk_v, srcb0, dstb0, srcb1, dstb1, gbuf0, gbuf1, agg,
                 sem0, sem1):
    cid = lax.axis_index("c")
    sid = lax.axis_index("s")
    wid = cid * NS + sid

    with jax.named_scope("sc_init"):
        pltpu.sync_copy(pk_hbm.at[pl.ds(wid * E_TILE, E_TILE)], pk_v)
        _unpack_chunk(pk_v, 0, srcb0, dstb0)
        pltpu.async_copy(x_hbm.at[srcb0], gbuf0, sem0)
        _unpack_chunk(pk_v, 1, srcb1, dstb1)
        pltpu.async_copy(x_hbm.at[srcb1], gbuf1, sem1)
        pltpu.sync_copy(z_hbm.at[pl.ds(sid * ROWS_PER_TILE, ROWS_PER_TILE)],
                        agg.at[pl.ds(sid * ROWS_PER_TILE, ROWS_PER_TILE)])
        plsc.subcore_barrier()

    def body(i, carry):
        j = 2 * i
        pltpu.make_async_copy(x_hbm.at[srcb0], gbuf0, sem0).wait()
        pltpu.sync_copy(gbuf0, agg.at[dstb0], add=True)
        _unpack_chunk(pk_v, jnp.minimum(j + 2, NCHUNK - 1), srcb0, dstb0)
        pltpu.async_copy(x_hbm.at[srcb0], gbuf0, sem0)
        pltpu.make_async_copy(x_hbm.at[srcb1], gbuf1, sem1).wait()
        pltpu.sync_copy(gbuf1, agg.at[dstb1], add=True)
        _unpack_chunk(pk_v, jnp.minimum(j + 3, NCHUNK - 1), srcb1, dstb1)
        pltpu.async_copy(x_hbm.at[srcb1], gbuf1, sem1)
        return carry

    with jax.named_scope("sc_edge_loop"):
        lax.fori_loop(0, NCHUNK // 2, body, 0)
        pltpu.make_async_copy(x_hbm.at[srcb0], gbuf0, sem0).wait()
        pltpu.make_async_copy(x_hbm.at[srcb1], gbuf1, sem1).wait()
        plsc.subcore_barrier()

    with jax.named_scope("sc_writeback"):
        pltpu.sync_copy(agg.at[pl.ds(sid * ROWS_PER_TILE, ROWS_PER_TILE)],
                        p_hbm.at[cid, pl.ds(sid * ROWS_PER_TILE, ROWS_PER_TILE)])


def _sc_aggregate(x, packed, zeros):
    mesh = plsc.VectorSubcoreMesh(core_axis_name="c", subcore_axis_name="s")
    f = functools.partial(
        pl.kernel,
        mesh=mesh,
        out_type=jax.ShapeDtypeStruct((NC, AGG_ROWS, D), jnp.float32),
        scratch_types=[
            pltpu.VMEM((E_TILE,), jnp.int32),
            pltpu.VMEM((CHUNK,), jnp.int32),
            pltpu.VMEM((CHUNK,), jnp.int32),
            pltpu.VMEM((CHUNK,), jnp.int32),
            pltpu.VMEM((CHUNK,), jnp.int32),
            pltpu.VMEM((CHUNK, D), jnp.float32),
            pltpu.VMEM((CHUNK, D), jnp.float32),
            pltpu.VMEM_SHARED((AGG_ROWS, D), jnp.float32),
            pltpu.SemaphoreType.DMA,
            pltpu.SemaphoreType.DMA,
        ],
    )(_sc_agg_body)
    return f(x, packed, zeros)


def _mlp_body(eps_ref, x_ref, p0_ref, p1_ref, w1_ref, b1_ref, w2_ref, b2_ref,
              o_ref):
    h = ((1.0 + eps_ref[0, 0]) * x_ref[...]
         + p0_ref[0, :, :] + p1_ref[0, :, :])
    h = jnp.dot(h, w1_ref[...], preferred_element_type=jnp.float32) + b1_ref[...]
    h = jnp.maximum(h, 0.0)
    h = jnp.dot(h, w2_ref[...], preferred_element_type=jnp.float32) + b2_ref[...]
    o_ref[...] = jnp.maximum(h, 0.0)


def _mlp(x, p, W1, b1, W2, b2, eps):
    blk = 5000
    grid = (N_NODES // blk,)
    row_spec = pl.BlockSpec((blk, D), lambda i: (i, 0))
    p0_spec = pl.BlockSpec((1, blk, D), lambda i: (0, i, 0))
    p1_spec = pl.BlockSpec((1, blk, D), lambda i: (1, i, 0))
    full_spec = pl.BlockSpec((D, D), lambda i: (0, 0))
    bias_spec = pl.BlockSpec((1, D), lambda i: (0, 0))
    return pl.pallas_call(
        _mlp_body,
        grid=grid,
        in_specs=[
            pl.BlockSpec(memory_space=pltpu.SMEM),
            row_spec, p0_spec, p1_spec,
            full_spec, bias_spec, full_spec, bias_spec,
        ],
        out_specs=row_spec,
        out_shape=jax.ShapeDtypeStruct((N_NODES, D), jnp.float32),
    )(eps.reshape(1, 1), x, p, p, W1, b1.reshape(1, D), W2, b2.reshape(1, D))


def kernel(x, edge_index, W1, b1, W2, b2, eps):
    src = edge_index[0].astype(jnp.int32)
    dst = edge_index[1].astype(jnp.int32)
    pad = E_PAD - N_EDGES
    packed = jnp.left_shift(dst, 16) | src
    k = np.arange(pad, dtype=np.int64)
    trash = jnp.asarray(
        (((N_NODES + k % (AGG_ROWS - N_NODES)) << 16) | (k % N_NODES))
        .astype(np.int32))
    packed = jnp.concatenate([packed, trash])
    zeros = jnp.asarray(np.zeros((AGG_ROWS, D), np.float32))

    p = _sc_aggregate(x, packed, zeros)
    return _mlp(x, p, W1, b1, W2, b2, eps)

# --- scband reference (transcript-rebuilt; emitter-appended) ---
"""Pipeline reference for scband-ginwrapper-70987219469126 (READ-ONLY COPY).

The authoritative reference and input builder live on the scoring server;
editing this copy changes nothing except your own understanding.
"""

import jax, jax.numpy as jnp
import numpy as np

N_NODES = 10000
N_EDGES = 320000
D_IN = 128
D_OUT = 128


def setup_inputs(seed: int = 0) -> dict:
    key = jax.random.key(seed)
    k_x, k_e, k_w1, k_b1, k_w2, k_b2 = jax.random.split(key, 6)
    x = jax.random.normal(k_x, (N_NODES, D_IN), dtype=jnp.float32)
    edge_index = jax.random.randint(k_e, (2, N_EDGES), 0, N_NODES, dtype=jnp.int64)
    # Linear(in_dim, out_dim) then Linear(out_dim, out_dim), kaiming-ish scale
    W1 = jax.random.normal(k_w1, (D_IN, D_OUT), dtype=jnp.float32) * (1.0 / np.sqrt(D_IN))
    b1 = jax.random.normal(k_b1, (D_OUT,), dtype=jnp.float32) * 0.01
    W2 = jax.random.normal(k_w2, (D_OUT, D_OUT), dtype=jnp.float32) * (1.0 / np.sqrt(D_OUT))
    b2 = jax.random.normal(k_b2, (D_OUT,), dtype=jnp.float32) * 0.01
    eps = jnp.zeros((), dtype=jnp.float32)  # learnable epsilon (train_eps=True), init 0.0
    return {"x": x, "edge_index": edge_index, "W1": W1, "b1": b1, "W2": W2, "b2": b2, "eps": eps}


def reference(x, edge_index, W1, b1, W2, b2, eps):
    # GINConv: out = nn((1 + eps) * x + sum_{j in N(i)} x_j)
    src = edge_index[0]
    dst = edge_index[1]
    messages = jnp.take(x, src, axis=0)                      # gather source node features
    agg = jnp.zeros_like(x).at[dst].add(messages)             # scatter-add (sum aggregation)
    h = (1.0 + eps) * x + agg
    # MLP updater: Linear -> ReLU -> Linear
    h = h @ W1 + b1
    h = jax.nn.relu(h)
    h = h @ W2 + b2
    # outer activation from GINWrapper.forward (dropout_value=0 -> no dropout)
    out = jax.nn.relu(h)
    return out

if __name__ == "__main__":
    import jax
    _d = setup_inputs()
    print(jax.jit(kernel)(*tuple(_d.values())))

</pallas_src>

<mosaic_0001>
#map = affine_map<(d0, d1) -> (0, 0)>
#map1 = affine_map<(d0, d1) -> (0)>
#map2 = affine_map<(d0, d1) -> (0, 0, 0)>
module attributes {stable_mosaic.version = 14 : i64} {
  func.func @_sc_agg_body(%arg0: i32, %arg1: i32, %arg2: memref<10000x128xf32, #tpu.memory_space<hbm>>, %arg3: memref<327680xi32, #tpu.memory_space<hbm>>, %arg4: memref<10112x128xf32, #tpu.memory_space<hbm>>, %arg5: memref<2x10112x128xf32, #tpu.memory_space<hbm>>, %arg6: memref<10240xi32, #tpu.memory_space<vmem>>, %arg7: memref<128xi32, #tpu.memory_space<vmem>>, %arg8: memref<128xi32, #tpu.memory_space<vmem>>, %arg9: memref<128xi32, #tpu.memory_space<vmem>>, %arg10: memref<128xi32, #tpu.memory_space<vmem>>, %arg11: memref<128x128xf32, #tpu.memory_space<vmem>>, %arg12: memref<128x128xf32, #tpu.memory_space<vmem>>, %arg13: memref<10112x128xf32, #tpu.memory_space<vmem_shared>>, %arg14: memref<!tpu.dma_semaphore, #tpu.memory_space<semaphore_mem>>, %arg15: memref<!tpu.dma_semaphore, #tpu.memory_space<semaphore_mem>>) attributes {dimension_semantics = [#tpu.dimension_semantics<core_parallel>, #tpu.dimension_semantics<subcore_parallel>], iteration_bounds = array<i64: 2, 16>, scalar_prefetch = 0 : i64, scratch_operands = 10 : i64, tpu.core_type = #tpu.core_type<sc_vector_subcore>, window_params = [{transform_indices = #map}, {transform_indices = #map1}, {transform_indices = #map}, {transform_indices = #map2}]} {
    %mul3A = arith.constant 16 : i32
    %mul3A_0 = arith.muli %arg0, %mul3A : i32
    %add3A = arith.addi %mul3A_0, %arg1 : i32
    "tpu.trace_start"() <{level = 10 : i32, message = "sc_init"}> : () -> ()
    %mul3A_1 = arith.constant 10240 : i32
    %mul3A_2 = arith.muli %add3A, %mul3A_1 : i32
    "tpu.region"() ({
      %run_scoped3A = tpu.sem_alloc : memref<!tpu.dma_semaphore, #tpu.memory_space<semaphore_mem>>
      %dma_start3A_295 = tpu.memref_slice %arg3[%mul3A_2] : memref<327680xi32, #tpu.memory_space<hbm>> -> memref<10240xi32, #tpu.memory_space<hbm>>
      %dma_start3A_296 = tpu.memref_slice %arg3[%mul3A_2] : memref<327680xi32, #tpu.memory_space<hbm>> -> memref<10240xi32, #tpu.memory_space<hbm>>
      tpu.enqueue_dma source(%dma_start3A_296 : memref<10240xi32, #tpu.memory_space<hbm>>) target(%arg6 : memref<10240xi32, #tpu.memory_space<vmem>>) target_semaphore(%run_scoped3A : memref<!tpu.dma_semaphore, #tpu.memory_space<semaphore_mem>>)
      %dma_wait3A_297 = tpu.memref_slice %arg3[%mul3A_2] : memref<327680xi32, #tpu.memory_space<hbm>> -> memref<10240xi32, #tpu.memory_space<hbm>>
      %dma_wait3A_298 = tpu.memref_slice %arg3[%mul3A_2] : memref<327680xi32, #tpu.memory_space<hbm>> -> memref<10240xi32, #tpu.memory_space<hbm>>
      tpu.wait_dma2 semaphore(%run_scoped3A : memref<!tpu.dma_semaphore, #tpu.memory_space<semaphore_mem>>) src(%dma_wait3A_298 : memref<10240xi32, #tpu.memory_space<hbm>>) dst(%arg6 : memref<10240xi32, #tpu.memory_space<vmem>>)
      tpu.yield
    }) : () -> ()
    %get3A = arith.constant 0 : index
    %get3A_3 = tpu.vector_load %arg6[%get3A] {strides = array<i32>} : memref<10240xi32, #tpu.memory_space<vmem>>, vector<16xi32>,
    %get3A_4 = vector.shape_cast %get3A_3 : vector<16xi32> to vector<16xi32>
    %and3A = arith.constant 65535 : i32
    %and3A_5 = vector.broadcast %and3A : i32 to vector<16xi32>
    %and3A_6 = arith.andi %get3A_4, %and3A_5 : vector<16xi32>
    %swap3A = arith.constant 0 : index
    %swap3A_7 = tpu.vector_load %arg7[%swap3A] {strides = array<i32>} : memref<128xi32, #tpu.memory_space<vmem>>, vector<16xi32>,
    %swap3A_8 = vector.shape_cast %swap3A_7 : vector<16xi32> to vector<16xi32>
    %swap3A_9 = vector.shape_cast %and3A_6 : vector<16xi32> to vector<16xi32>
    tpu.vector_store %arg7[%swap3A], %swap3A_9 {strides = array<i32>} : memref<128xi32, #tpu.memory_space<vmem>>, vector<16xi32>,
    %shift_right_logical3A = arith.constant 16 : i32
    %shift_right_logical3A_10 = vector.broadcast %shift_right_logical3A : i32 to vector<16xi32>
    %shift_right_logical3A_11 = arith.shrui %get3A_4, %shift_right_logical3A_10 : vector<16xi32>
    %swap3A_12 = arith.constant 0 : index
    %swap3A_13 = tpu.vector_load %arg8[%swap3A_12] {strides = array<i32>} : memref<128xi32, #tpu.memory_space<vmem>>, vector<16xi32>,
    %swap3A_14 = vector.shape_cast %swap3A_13 : vector<16xi32> to vector<16xi32>
    %swap3A_15 = vector.shape_cast %shift_right_logical3A_11 : vector<16xi32> to vector<16xi32>
    tpu.vector_store %arg8[%swap3A_12], %swap3A_15 {strides = array<i32>} : memref<128xi32, #tpu.memory_space<vmem>>, vector<16xi32>,
    %get3A_16 = arith.constant 16 : index
    %get3A_17 = tpu.vector_load %arg6[%get3A_16] {strides = array<i32>} : memref<10240xi32, #tpu.memory_space<vmem>>, vector<16xi32>,
    %get3A_18 = vector.shape_cast %get3A_17 : vector<16xi32> to vector<16xi32>
    %and3A_19 = arith.constant 65535 : i32
    %and3A_20 = vector.broadcast %and3A_19 : i32 to vector<16xi32>
    %and3A_21 = arith.andi %get3A_18, %and3A_20 : vector<16xi32>
    %swap3A_22 = arith.constant 16 : index
    %swap3A_23 = tpu.vector_load %arg7[%swap3A_22] {strides = array<i32>} : memref<128xi32, #tpu.memory_space<vmem>>, vector<16xi32>,
    %swap3A_24 = vector.shape_cast %swap3A_23 : vector<16xi32> to vector<16xi32>
    %swap3A_25 = vector.shape_cast %and3A_21 : vector<16xi32> to vector<16xi32>
    tpu.vector_store %arg7[%swap3A_22], %swap3A_25 {strides = array<i32>} : memref<128xi32, #tpu.memory_space<vmem>>, vector<16xi32>,
    %shift_right_logical3A_26 = arith.constant 16 : i32
    %shift_right_logical3A_27 = vector.broadcast %shift_right_logical3A_26 : i32 to vector<16xi32>
    %shift_right_logical3A_28 = arith.shrui %get3A_18, %shift_right_logical3A_27 : vector<16xi32>
    %swap3A_29 = arith.constant 16 : index
    %swap3A_30 = tpu.vector_load %arg8[%swap3A_29] {strides = array<i32>} : memref<128xi32, #tpu.memory_space<vmem>>, vector<16xi32>,
    %swap3A_31 = vector.shape_cast %swap3A_30 : vector<16xi32> to vector<16xi32>
    %swap3A_32 = vector.shape_cast %shift_right_logical3A_28 : vector<16xi32> to vector<16xi32>
    tpu.vector_store %arg8[%swap3A_29], %swap3A_32 {strides = array<i32>} : memref<128xi32, #tpu.memory_space<vmem>>, vector<16xi32>,
    %get3A_33 = arith.constant 32 : index
    %get3A_34 = tpu.vector_load %arg6[%get3A_33] {strides = array<i32>} : memref<10240xi32, #tpu.memory_space<vmem>>, vector<16xi32>,
    %get3A_35 = vector.shape_cast %get3A_34 : vector<16xi32> to vector<16xi32>
    %and3A_36 = arith.constant 65535 : i32
    %and3A_37 = vector.broadcast %and3A_36 : i32 to vector<16xi32>
    %and3A_38 = arith.andi %get3A_35, %and3A_37 : vector<16xi32>
    %swap3A_39 = arith.constant 32 : index
    %swap3A_40 = tpu.vector_load %arg7[%swap3A_39] {strides = array<i32>} : memref<128xi32, #tpu.memory_space<vmem>>, vector<16xi32>,
    %swap3A_41 = vector.shape_cast %swap3A_40 : vector<16xi32> to vector<16xi32>
    %swap3A_42 = vector.shape_cast %and3A_38 : vector<16xi32> to vector<16xi32>
    tpu.vector_store %arg7[%swap3A_39], %swap3A_42 {strides = array<i32>} : memref<128xi32, #tpu.memory_space<vmem>>, vector<16xi32>,
    %shift_right_logical3A_43 = arith.constant 16 : i32
    %shift_right_logical3A_44 = vector.broadcast %shift_right_logical3A_43 : i32 to vector<16xi32>
    %shift_right_logical3A_45 = arith.shrui %get3A_35, %shift_right_logical3A_44 : vector<16xi32>
    %swap3A_46 = arith.constant 32 : index
    %swap3A_47 = tpu.vector_load %arg8[%swap3A_46] {strides = array<i32>} : memref<128xi32, #tpu.memory_space<vmem>>, vector<16xi32>,
    %swap3A_48 = vector.shape_cast %swap3A_47 : vector<16xi32> to vector<16xi32>
    %swap3A_49 = vector.shape_cast %shift_right_logical3A_45 : vector<16xi32> to vector<16xi32>
    tpu.vector_store %arg8[%swap3A_46], %swap3A_49 {strides = array<i32>} : memref<128xi32, #tpu.memory_space<vmem>>, vector<16xi32>,
    %get3A_50 = arith.constant 48 : index
    %get3A_51 = tpu.vector_load %arg6[%get3A_50] {strides = array<i32>} : memref<10240xi32, #tpu.memory_space<vmem>>, vector<16xi32>,
    %get3A_52 = vector.shape_cast %get3A_51 : vector<16xi32> to vector<16xi32>
    %and3A_53 = arith.constant 65535 : i32
    %and3A_54 = vector.broadcast %and3A_53 : i32 to vector<16xi32>
    %and3A_55 = arith.andi %get3A_52, %and3A_54 : vector<16xi32>
    %swap3A_56 = arith.constant 48 : index
    %swap3A_57 = tpu.vector_load %arg7[%swap3A_56] {strides = array<i32>} : memref<128xi32, #tpu.memory_space<vmem>>, vector<16xi32>,
    %swap3A_58 = vector.shape_cast %swap3A_57 : vector<16xi32> to vector<16xi32>
    %swap3A_59 = vector.shape_cast %and3A_55 : vector<16xi32> to vector<16xi32>
    tpu.vector_store %arg7[%swap3A_56], %swap3A_59 {strides = array<i32>} : memref<128xi32, #tpu.memory_space<vmem>>, vector<16xi32>,
    %shift_right_logical3A_60 = arith.constant 16 : i32
    %shift_right_logical3A_61 = vector.broadcast %shift_right_logical3A_60 : i32 to vector<16xi32>
    %shift_right_logical3A_62 = arith.shrui %get3A_52, %shift_right_logical3A_61 : vector<16xi32>
    %swap3A_63 = arith.constant 48 : index
    %swap3A_64 = tpu.vector_load %arg8[%swap3A_63] {strides = array<i32>} : memref<128xi32, #tpu.memory_space<vmem>>, vector<16xi32>,
    %swap3A_65 = vector.shape_cast %swap3A_64 : vector<16xi32> to vector<16xi32>
    %swap3A_66 = vector.shape_cast %shift_right_logical3A_62 : vector<16xi32> to vector<16xi32>
    tpu.vector_store %arg8[%swap3A_63], %swap3A_66 {strides = array<i32>} : memref<128xi32, #tpu.memory_space<vmem>>, vector<16xi32>,
    %get3A_67 = arith.constant 64 : index
    %get3A_68 = tpu.vector_load %arg6[%get3A_67] {strides = array<i32>} : memref<10240xi32, #tpu.memory_space<vmem>>, vector<16xi32>,
    %get3A_69 = vector.shape_cast %get3A_68 : vector<16xi32> to vector<16xi32>
    %and3A_70 = arith.constant 65535 : i32
    %and3A_71 = vector.broadcast %and3A_70 : i32 to vector<16xi32>
    %and3A_72 = arith.andi %get3A_69, %and3A_71 : vector<16xi32>
    %swap3A_73 = arith.constant 64 : index
    %swap3A_74 = tpu.vector_load %arg7[%swap3A_73] {strides = array<i32>} : memref<128xi32, #tpu.memory_space<vmem>>, vector<16xi32>,
    %swap3A_75 = vector.shape_cast %swap3A_74 : vector<16xi32> to vector<16xi32>
    %swap3A_76 = vector.shape_cast %and3A_72 : vector<16xi32> to vector<16xi32>
    tpu.vector_store %arg7[%swap3A_73], %swap3A_76 {strides = array<i32>} : memref<128xi32, #tpu.memory_space<vmem>>, vector<16xi32>,
    %shift_right_logical3A_77 = arith.constant 16 : i32
    %shift_right_logical3A_78 = vector.broadcast %shift_right_logical3A_77 : i32 to vector<16xi32>
    %shift_right_logical3A_79 = arith.shrui %get3A_69, %shift_right_logical3A_78 : vector<16xi32>
    %swap3A_80 = arith.constant 64 : index
    %swap3A_81 = tpu.vector_load %arg8[%swap3A_80] {strides = array<i32>} : memref<128xi32, #tpu.memory_space<vmem>>, vector<16xi32>,
    %swap3A_82 = vector.shape_cast %swap3A_81 : vector<16xi32> to vector<16xi32>
    %swap3A_83 = vector.shape_cast %shift_right_logical3A_79 : vector<16xi32> to vector<16xi32>
    tpu.vector_store %arg8[%swap3A_80], %swap3A_83 {strides = array<i32>} : memref<128xi32, #tpu.memory_space<vmem>>, vector<16xi32>,
    %get3A_84 = arith.constant 80 : index
    %get3A_85 = tpu.vector_load %arg6[%get3A_84] {strides = array<i32>} : memref<10240xi32, #tpu.memory_space<vmem>>, vector<16xi32>,
    %get3A_86 = vector.shape_cast %get3A_85 : vector<16xi32> to vector<16xi32>
    %and3A_87 = arith.constant 65535 : i32
    %and3A_88 = vector.broadcast %and3A_87 : i32 to vector<16xi32>
    %and3A_89 = arith.andi %get3A_86, %and3A_88 : vector<16xi32>
    %swap3A_90 = arith.constant 80 : index
    %swap3A_91 = tpu.vector_load %arg7[%swap3A_90] {strides = array<i32>} : memref<128xi32, #tpu.memory_space<vmem>>, vector<16xi32>,
    %swap3A_92 = vector.shape_cast %swap3A_91 : vector<16xi32> to vector<16xi32>
    %swap3A_93 = vector.shape_cast %and3A_89 : vector<16xi32> to vector<16xi32>
    tpu.vector_store %arg7[%swap3A_90], %swap3A_93 {strides = array<i32>} : memref<128xi32, #tpu.memory_space<vmem>>, vector<16xi32>,
    %shift_right_logical3A_94 = arith.constant 16 : i32
    %shift_right_logical3A_95 = vector.broadcast %shift_right_logical3A_94 : i32 to vector<16xi32>
    %shift_right_logical3A_96 = arith.shrui %get3A_86, %shift_right_logical3A_95 : vector<16xi32>
    %swap3A_97 = arith.constant 80 : index
    %swap3A_98 = tpu.vector_load %arg8[%swap3A_97] {strides = array<i32>} : memref<128xi32, #tpu.memory_space<vmem>>, vector<16xi32>,
    %swap3A_99 = vector.shape_cast %swap3A_98 : vector<16xi32> to vector<16xi32>
    %swap3A_100 = vector.shape_cast %shift_right_logical3A_96 : vector<16xi32> to vector<16xi32>
    tpu.vector_store %arg8[%swap3A_97], %swap3A_100 {strides = array<i32>} : memref<128xi32, #tpu.memory_space<vmem>>, vector<16xi32>,
    %get3A_101 = arith.constant 96 : index
    %get3A_102 = tpu.vector_load %arg6[%get3A_101] {strides = array<i32>} : memref<10240xi32, #tpu.memory_space<vmem>>, vector<16xi32>,
    %get3A_103 = vector.shape_cast %get3A_102 : vector<16xi32> to vector<16xi32>
    %and3A_104 = arith.constant 65535 : i32
    %and3A_105 = vector.broadcast %and3A_104 : i32 to vector<16xi32>
    %and3A_106 = arith.andi %get3A_103, %and3A_105 : vector<16xi32>
    %swap3A_107 = arith.constant 96 : index
    %swap3A_108 = tpu.vector_load %arg7[%swap3A_107] {strides = array<i32>} : memref<128xi32, #tpu.memory_space<vmem>>, vector<16xi32>,
    %swap3A_109 = vector.shape_cast %swap3A_108 : vector<16xi32> to vector<16xi32>
    %swap3A_110 = vector.shape_cast %and3A_106 : vector<16xi32> to vector<16xi32>
    tpu.vector_store %arg7[%swap3A_107], %swap3A_110 {strides = array<i32>} : memref<128xi32, #tpu.memory_space<vmem>>, vector<16xi32>,
    %shift_right_logical3A_111 = arith.constant 16 : i32
    %shift_right_logical3A_112 = vector.broadcast %shift_right_logical3A_111 : i32 to vector<16xi32>
    %shift_right_logical3A_113 = arith.shrui %get3A_103, %shift_right_logical3A_112 : vector<16xi32>
    %swap3A_114 = arith.constant 96 : index
    %swap3A_115 = tpu.vector_load %arg8[%swap3A_114] {strides = array<i32>} : memref<128xi32, #tpu.memory_space<vmem>>, vector<16xi32>,
    %swap3A_116 = vector.shape_cast %swap3A_115 : vector<16xi32> to vector<16xi32>
    %swap3A_117 = vector.shape_cast %shift_right_logical3A_113 : vector<16xi32> to vector<16xi32>
    tpu.vector_store %arg8[%swap3A_114], %swap3A_117 {strides = array<i32>} : memref<128xi32, #tpu.memory_space<vmem>>, vector<16xi32>,
    %get3A_118 = arith.constant 112 : index
    %get3A_119 = tpu.vector_load %arg6[%get3A_118] {strides = array<i32>} : memref<10240xi32, #tpu.memory_space<vmem>>, vector<16xi32>,
    %get3A_120 = vector.shape_cast %get3A_119 : vector<16xi32> to vector<16xi32>
    %and3A_121 = arith.constant 65535 : i32
    %and3A_122 = vector.broadcast %and3A_121 : i32 to vector<16xi32>
    %and3A_123 = arith.andi %get3A_120, %and3A_122 : vector<16xi32>
    %swap3A_124 = arith.constant 112 : index
    %swap3A_125 = tpu.vector_load %arg7[%swap3A_124] {strides = array<i32>} : memref<128xi32, #tpu.memory_space<vmem>>, vector<16xi32>,
    %swap3A_126 = vector.shape_cast %swap3A_125 : vector<16xi32> to vector<16xi32>
    %swap3A_127 = vector.shape_cast %and3A_123 : vector<16xi32> to vector<16xi32>
    tpu.vector_store %arg7[%swap3A_124], %swap3A_127 {strides = array<i32>} : memref<128xi32, #tpu.memory_space<vmem>>, vector<16xi32>,
    %shift_right_logical3A_128 = arith.constant 16 : i32
    %shift_right_logical3A_129 = vector.broadcast %shift_right_logical3A_128 : i32 to vector<16xi32>
    %shift_right_logical3A_130 = arith.shrui %get3A_120, %shift_right_logical3A_129 : vector<16xi32>
    %swap3A_131 = arith.constant 112 : index
    %swap3A_132 = tpu.vector_load %arg8[%swap3A_131] {strides = array<i32>} : memref<128xi32, #tpu.memory_space<vmem>>, vector<16xi32>,
    %swap3A_133 = vector.shape_cast %swap3A_132 : vector<16xi32> to vector<16xi32>
    %swap3A_134 = vector.shape_cast %shift_right_logical3A_130 : vector<16xi32> to vector<16xi32>
    tpu.vector_store %arg8[%swap3A_131], %swap3A_134 {strides = array<i32>} : memref<128xi32, #tpu.memory_space<vmem>>, vector<16xi32>,
    %dma_start3A = arith.constant 0 : i32
    %dma_start3A_135 = arith.constant 0 : i32
    %dma_start3A_136 = tpu.memref_slice %arg2[%dma_start3A, %dma_start3A_135] : memref<10000x128xf32, #tpu.memory_space<hbm>> -> memref<10000x128xf32, #tpu.memory_space<hbm>>
    tpu.enqueue_indirect_dma source(%dma_start3A_136 : memref<10000x128xf32, #tpu.memory_space<hbm>>) target(%arg11 : memref<128x128xf32, #tpu.memory_space<vmem>>) offsets(%arg7 : memref<128xi32, #tpu.memory_space<vmem>>) semaphore(%arg14 : memref<!tpu.dma_semaphore, #tpu.memory_space<semaphore_mem>>)
    %get3A_137 = arith.constant 128 : index
    %get3A_138 = tpu.vector_load %arg6[%get3A_137] {strides = array<i32>} : memref<10240xi32, #tpu.memory_space<vmem>>, vector<16xi32>,
    %get3A_139 = vector.shape_cast %get3A_138 : vector<16xi32> to vector<16xi32>
    %and3A_140 = arith.constant 65535 : i32
    %and3A_141 = vector.broadcast %and3A_140 : i32 to vector<16xi32>
    %and3A_142 = arith.andi %get3A_139, %and3A_141 : vector<16xi32>
    %swap3A_143 = arith.constant 0 : index
    %swap3A_144 = tpu.vector_load %arg9[%swap3A_143] {strides = array<i32>} : memref<128xi32, #tpu.memory_space<vmem>>, vector<16xi32>,
    %swap3A_145 = vector.shape_cast %swap3A_144 : vector<16xi32> to vector<16xi32>
    %swap3A_146 = vector.shape_cast %and3A_142 : vector<16xi32> to vector<16xi32>
    tpu.vector_store %arg9[%swap3A_143], %swap3A_146 {strides = array<i32>} : memref<128xi32, #tpu.memory_space<vmem>>, vector<16xi32>,
    %shift_right_logical3A_147 = arith.constant 16 : i32
    %shift_right_logical3A_148 = vector.broadcast %shift_right_logical3A_147 : i32 to vector<16xi32>
    %shift_right_logical3A_149 = arith.shrui %get3A_139, %shift_right_logical3A_148 : vector<16xi32>
    %swap3A_150 = arith.constant 0 : index
    %swap3A_151 = tpu.vector_load %arg10[%swap3A_150] {strides = array<i32>} : memref<128xi32, #tpu.memory_space<vmem>>, vector<16xi32>,
    %swap3A_152 = vector.shape_cast %swap3A_151 : vector<16xi32> to vector<16xi32>
    %swap3A_153 = vector.shape_cast %shift_right_logical3A_149 : vector<16xi32> to vector<16xi32>
    tpu.vector_store %arg10[%swap3A_150], %swap3A_153 {strides = array<i32>} : memref<128xi32, #tpu.memory_space<vmem>>, vector<16xi32>,
    %get3A_154 = arith.constant 144 : index
    %get3A_155 = tpu.vector_load %arg6[%get3A_154] {strides = array<i32>} : memref<10240xi32, #tpu.memory_space<vmem>>, vector<16xi32>,
    %get3A_156 = vector.shape_cast %get3A_155 : vector<16xi32> to vector<16xi32>
    %and3A_157 = arith.constant 65535 : i32
    %and3A_158 = vector.broadcast %and3A_157 : i32 to vector<16xi32>
    %and3A_159 = arith.andi %get3A_156, %and3A_158 : vector<16xi32>
    %swap3A_160 = arith.constant 16 : index
    %swap3A_161 = tpu.vector_load %arg9[%swap3A_160] {strides = array<i32>} : memref<128xi32, #tpu.memory_space<vmem>>, vector<16xi32>,
    %swap3A_162 = vector.shape_cast %swap3A_161 : vector<16xi32> to vector<16xi32>
    %swap3A_163 = vector.shape_cast %and3A_159 : vector<16xi32> to vector<16xi32>
    tpu.vector_store %arg9[%swap3A_160], %swap3A_163 {strides = array<i32>} : memref<128xi32, #tpu.memory_space<vmem>>, vector<16xi32>,
    %shift_right_logical3A_164 = arith.constant 16 : i32
    %shift_right_logical3A_165 = vector.broadcast %shift_right_logical3A_164 : i32 to vector<16xi32>
    %shift_right_logical3A_166 = arith.shrui %get3A_156, %shift_right_logical3A_165 : vector<16xi32>
    %swap3A_167 = arith.constant 16 : index
    %swap3A_168 = tpu.vector_load %arg10[%swap3A_167] {strides = array<i32>} : memref<128xi32, #tpu.memory_space<vmem>>, vector<16xi32>,
    %swap3A_169 = vector.shape_cast %swap3A_168 : vector<16xi32> to vector<16xi32>
    %swap3A_170 = vector.shape_cast %shift_right_logical3A_166 : vector<16xi32> to vector<16xi32>
    tpu.vector_store %arg10[%swap3A_167], %swap3A_170 {strides = array<i32>} : memref<128xi32, #tpu.memory_space<vmem>>, vector<16xi32>,
    %get3A_171 = arith.constant 160 : index
    %get3A_172 = tpu.vector_load %arg6[%get3A_171] {strides = array<i32>} : memref<10240xi32, #tpu.memory_space<vmem>>, vector<16xi32>,
    %get3A_173 = vector.shape_cast %get3A_172 : vector<16xi32> to vector<16xi32>
    %and3A_174 = arith.constant 65535 : i32
    %and3A_175 = vector.broadcast %and3A_174 : i32 to vector<16xi32>
    %and3A_176 = arith.andi %get3A_173, %and3A_175 : vector<16xi32>
    %swap3A_177 = arith.constant 32 : index
    %swap3A_178 = tpu.vector_load %arg9[%swap3A_177] {strides = array<i32>} : memref<128xi32, #tpu.memory_space<vmem>>, vector<16xi32>,
    %swap3A_179 = vector.shape_cast %swap3A_178 : vector<16xi32> to vector<16xi32>
    %swap3A_180 = vector.shape_cast %and3A_176 : vector<16xi32> to vector<16xi32>
    tpu.vector_store %arg9[%swap3A_177], %swap3A_180 {strides = array<i32>} : memref<128xi32, #tpu.memory_space<vmem>>, vector<16xi32>,
    %shift_right_logical3A_181 = arith.constant 16 : i32
    %shift_right_logical3A_182 = vector.broadcast %shift_right_logical3A_181 : i32 to vector<16xi32>
    %shift_right_logical3A_183 = arith.shrui %get3A_173, %shift_right_logical3A_182 : vector<16xi32>
    %swap3A_184 = arith.constant 32 : index
    %swap3A_185 = tpu.vector_load %arg10[%swap3A_184] {strides = array<i32>} : memref<128xi32, #tpu.memory_space<vmem>>, vector<16xi32>,
    %swap3A_186 = vector.shape_cast %swap3A_185 : vector<16xi32> to vector<16xi32>
    %swap3A_187 = vector.shape_cast %shift_right_logical3A_183 : vector<16xi32> to vector<16xi32>
    tpu.vector_store %arg10[%swap3A_184], %swap3A_187 {strides = array<i32>} : memref<128xi32, #tpu.memory_space<vmem>>, vector<16xi32>,
    %get3A_188 = arith.constant 176 : index
    %get3A_189 = tpu.vector_load %arg6[%get3A_188] {strides = array<i32>} : memref<10240xi32, #tpu.memory_space<vmem>>, vector<16xi32>,
    %get3A_190 = vector.shape_cast %get3A_189 : vector<16xi32> to vector<16xi32>
    %and3A_191 = arith.constant 65535 : i32
    %and3A_192 = vector.broadcast %and3A_191 : i32 to vector<16xi32>
    %and3A_193 = arith.andi %get3A_190, %and3A_192 : vector<16xi32>
    %swap3A_194 = arith.constant 48 : index
    %swap3A_195 = tpu.vector_load %arg9[%swap3A_194] {strides = array<i32>} : memref<128xi32, #tpu.memory_space<vmem>>, vector<16xi32>,
    %swap3A_196 = vector.shape_cast %swap3A_195 : vector<16xi32> to vector<16xi32>
    %swap3A_197 = vector.shape_cast %and3A_193 : vector<16xi32> to vector<16xi32>
    tpu.vector_store %arg9[%swap3A_194], %swap3A_197 {strides = array<i32>} : memref<128xi32, #tpu.memory_space<vmem>>, vector<16xi32>,
    %shift_right_logical3A_198 = arith.constant 16 : i32
    %shift_right_logical3A_199 = vector.broadcast %shift_right_logical3A_198 : i32 to vector<16xi32>
    %shift_right_logical3A_200 = arith.shrui %get3A_190, %shift_right_logical3A_199 : vector<16xi32>
    %swap3A_201 = arith.constant 48 : index
    %swap3A_202 = tpu.vector_load %arg10[%swap3A_201] {strides = array<i32>} : memref<128xi32, #tpu.memory_space<vmem>>, vector<16xi32>,
    %swap3A_203 = vector.shape_cast %swap3A_202 : vector<16xi32> to vector<16xi32>
    %swap3A_204 = vector.shape_cast %shift_right_logical3A_200 : vector<16xi32> to vector<16xi32>
    tpu.vector_store %arg10[%swap3A_201], %swap3A_204 {strides = array<i32>} : memref<128xi32, #tpu.memory_space<vmem>>, vector<16xi32>,
    %get3A_205 = arith.constant 192 : index
    %get3A_206 = tpu.vector_load %arg6[%get3A_205] {strides = array<i32>} : memref<10240xi32, #tpu.memory_space<vmem>>, vector<16xi32>,
    %get3A_207 = vector.shape_cast %get3A_206 : vector<16xi32> to vector<16xi32>
    %and3A_208 = arith.constant 65535 : i32
    %and3A_209 = vector.broadcast %and3A_208 : i32 to vector<16xi32>
    %and3A_210 = arith.andi %get3A_207, %and3A_209 : vector<16xi32>
    %swap3A_211 = arith.constant 64 : index
    %swap3A_212 = tpu.vector_load %arg9[%swap3A_211] {strides = array<i32>} : memref<128xi32, #tpu.memory_space<vmem>>, vector<16xi32>,
    %swap3A_213 = vector.shape_cast %swap3A_212 : vector<16xi32> to vector<16xi32>
    %swap3A_214 = vector.shape_cast %and3A_210 : vector<16xi32> to vector<16xi32>
    tpu.vector_store %arg9[%swap3A_211], %swap3A_214 {strides = array<i32>} : memref<128xi32, #tpu.memory_space<vmem>>, vector<16xi32>,
    %shift_right_logical3A_215 = arith.constant 16 : i32
    %shift_right_logical3A_216 = vector.broadcast %shift_right_logical3A_215 : i32 to vector<16xi32>
    %shift_right_logical3A_217 = arith.shrui %get3A_207, %shift_right_logical3A_216 : vector<16xi32>
    %swap3A_218 = arith.constant 64 : index
    %swap3A_219 = tpu.vector_load %arg10[%swap3A_218] {strides = array<i32>} : memref<128xi32, #tpu.memory_space<vmem>>, vector<16xi32>,
    %swap3A_220 = vector.shape_cast %swap3A_219 : vector<16xi32> to vector<16xi32>
    %swap3A_221 = vector.shape_cast %shift_right_logical3A_217 : vector<16xi32> to vector<16xi32>
    tpu.vector_store %arg10[%swap3A_218], %swap3A_221 {strides = array<i32>} : memref<128xi32, #tpu.memory_space<vmem>>, vector<16xi32>,
    %get3A_222 = arith.constant 208 : index
    %get3A_223 = tpu.vector_load %arg6[%get3A_222] {strides = array<i32>} : memref<10240xi32, #tpu.memory_space<vmem>>, vector<16xi32>,
    %get3A_224 = vector.shape_cast %get3A_223 : vector<16xi32> to vector<16xi32>
    %and3A_225 = arith.constant 65535 : i32
    %and3A_226 = vector.broadcast %and3A_225 : i32 to vector<16xi32>
    %and3A_227 = arith.andi %get3A_224, %and3A_226 : vector<16xi32>
    %swap3A_228 = arith.constant 80 : index
    %swap3A_229 = tpu.vector_load %arg9[%swap3A_228] {strides = array<i32>} : memref<128xi32, #tpu.memory_space<vmem>>, vector<16xi32>,
    %swap3A_230 = vector.shape_cast %swap3A_229 : vector<16xi32> to vector<16xi32>
    %swap3A_231 = vector.shape_cast %and3A_227 : vector<16xi32> to vector<16xi32>
    tpu.vector_store %arg9[%swap3A_228], %swap3A_231 {strides = array<i32>} : memref<128xi32, #tpu.memory_space<vmem>>, vector<16xi32>,
    %shift_right_logical3A_232 = arith.constant 16 : i32
    %shift_right_logical3A_233 = vector.broadcast %shift_right_logical3A_232 : i32 to vector<16xi32>
    %shift_right_logical3A_234 = arith.shrui %get3A_224, %shift_right_logical3A_233 : vector<16xi32>
    %swap3A_235 = arith.constant 80 : index
    %swap3A_236 = tpu.vector_load %arg10[%swap3A_235] {strides = array<i32>} : memref<128xi32, #tpu.memory_space<vmem>>, vector<16xi32>,
    %swap3A_237 = vector.shape_cast %swap3A_236 : vector<16xi32> to vector<16xi32>
    %swap3A_238 = vector.shape_cast %shift_right_logical3A_234 : vector<16xi32> to vector<16xi32>
    tpu.vector_store %arg10[%swap3A_235], %swap3A_238 {strides = array<i32>} : memref<128xi32, #tpu.memory_space<vmem>>, vector<16xi32>,
    %get3A_239 = arith.constant 224 : index
    %get3A_240 = tpu.vector_load %arg6[%get3A_239] {strides = array<i32>} : memref<10240xi32, #tpu.memory_space<vmem>>, vector<16xi32>,
    %get3A_241 = vector.shape_cast %get3A_240 : vector<16xi32> to vector<16xi32>
    %and3A_242 = arith.constant 65535 : i32
    %and3A_243 = vector.broadcast %and3A_242 : i32 to vector<16xi32>
    %and3A_244 = arith.andi %get3A_241, %and3A_243 : vector<16xi32>
    %swap3A_245 = arith.constant 96 : index
    %swap3A_246 = tpu.vector_load %arg9[%swap3A_245] {strides = array<i32>} : memref<128xi32, #tpu.memory_space<vmem>>, vector<16xi32>,
    %swap3A_247 = vector.shape_cast %swap3A_246 : vector<16xi32> to vector<16xi32>
    %swap3A_248 = vector.shape_cast %and3A_244 : vector<16xi32> to vector<16xi32>
    tpu.vector_store %arg9[%swap3A_245], %swap3A_248 {strides = array<i32>} : memref<128xi32, #tpu.memory_space<vmem>>, vector<16xi32>,
    %shift_right_logical3A_249 = arith.constant 16 : i32
    %shift_right_logical3A_250 = vector.broadcast %shift_right_logical3A_249 : i32 to vector<16xi32>
    %shift_right_logical3A_251 = arith.shrui %get3A_241, %shift_right_logical3A_250 : vector<16xi32>
    %swap3A_252 = arith.constant 96 : index
    %swap3A_253 = tpu.vector_load %arg10[%swap3A_252] {strides = array<i32>} : memref<128xi32, #tpu.memory_space<vmem>>, vector<16xi32>,
    %swap3A_254 = vector.shape_cast %swap3A_253 : vector<16xi32> to vector<16xi32>
    %swap3A_255 = vector.shape_cast %shift_right_logical3A_251 : vector<16xi32> to vector<16xi32>
    tpu.vector_store %arg10[%swap3A_252], %swap3A_255 {strides = array<i32>} : memref<128xi32, #tpu.memory_space<vmem>>, vector<16xi32>,
    %get3A_256 = arith.constant 240 : index
    %get3A_257 = tpu.vector_load %arg6[%get3A_256] {strides = array<i32>} : memref<10240xi32, #tpu.memory_space<vmem>>, vector<16xi32>,
    %get3A_258 = vector.shape_cast %get3A_257 : vector<16xi32> to vector<16xi32>
    %and3A_259 = arith.constant 65535 : i32
    %and3A_260 = vector.broadcast %and3A_259 : i32 to vector<16xi32>
    %and3A_261 = arith.andi %get3A_258, %and3A_260 : vector<16xi32>
    %swap3A_262 = arith.constant 112 : index
    %swap3A_263 = tpu.vector_load %arg9[%swap3A_262] {strides = array<i32>} : memref<128xi32, #tpu.memory_space<vmem>>, vector<16xi32>,
    %swap3A_264 = vector.shape_cast %swap3A_263 : vector<16xi32> to vector<16xi32>
    %swap3A_265 = vector.shape_cast %and3A_261 : vector<16xi32> to vector<16xi32>
    tpu.vector_store %arg9[%swap3A_262], %swap3A_265 {strides = array<i32>} : memref<128xi32, #tpu.memory_space<vmem>>, vector<16xi32>,
    %shift_right_logical3A_266 = arith.constant 16 : i32
    %shift_right_logical3A_267 = vector.broadcast %shift_right_logical3A_266 : i32 to vector<16xi32>
    %shift_right_logical3A_268 = arith.shrui %get3A_258, %shift_right_logical3A_267 : vector<16xi32>
    %swap3A_269 = arith.constant 112 : index
    %swap3A_270 = tpu.vector_load %arg10[%swap3A_269] {strides = array<i32>} : memref<128xi32, #tpu.memory_space<vmem>>, vector<16xi32>,
    %swap3A_271 = vector.shape_cast %swap3A_270 : vector<16xi32> to vector<16xi32>
    %swap3A_272 = vector.shape_cast %shift_right_logical3A_268 : vector<16xi32> to vector<16xi32>
    tpu.vector_store %arg10[%swap3A_269], %swap3A_272 {strides = array<i32>} : memref<128xi32, #tpu.memory_space<vmem>>, vector<16xi32>,
    %dma_start3A_273 = arith.constant 0 : i32
    %dma_start3A_274 = arith.constant 0 : i32
    %dma_start3A_275 = tpu.memref_slice %arg2[%dma_start3A_273, %dma_start3A_274] : memref<10000x128xf32, #tpu.memory_space<hbm>> -> memref<10000x128xf32, #tpu.memory_space<hbm>>
    tpu.enqueue_indirect_dma source(%dma_start3A_275 : memref<10000x128xf32, #tpu.memory_space<hbm>>) target(%arg12 : memref<128x128xf32, #tpu.memory_space<vmem>>) offsets(%arg9 : memref<128xi32, #tpu.memory_space<vmem>>) semaphore(%arg15 : memref<!tpu.dma_semaphore, #tpu.memory_space<semaphore_mem>>)
    %mul3A_276 = arith.constant 632 : i32
    %mul3A_277 = arith.muli %arg1, %mul3A_276 : i32
    %mul3A_278 = arith.constant 632 : i32
    %mul3A_279 = arith.muli %arg1, %mul3A_278 : i32
    "tpu.region"() ({
      %run_scoped3A = tpu.sem_alloc : memref<!tpu.dma_semaphore, #tpu.memory_space<semaphore_mem>>
      %dma_start3A_295 = arith.constant 0 : i32
      %dma_start3A_296 = tpu.memref_slice %arg13[%mul3A_279, %dma_start3A_295] : memref<10112x128xf32, #tpu.memory_space<vmem_shared>> -> memref<632x128xf32, #tpu.memory_space<vmem_shared>>
      %dma_start3A_297 = arith.constant 0 : i32
      %dma_start3A_298 = tpu.memref_slice %arg4[%mul3A_277, %dma_start3A_297] : memref<10112x128xf32, #tpu.memory_space<hbm>> -> memref<632x128xf32, #tpu.memory_space<hbm>>
      tpu.enqueue_dma source(%dma_start3A_298 : memref<632x128xf32, #tpu.memory_space<hbm>>) target(%dma_start3A_296 : memref<632x128xf32, #tpu.memory_space<vmem_shared>>) target_semaphore(%run_scoped3A : memref<!tpu.dma_semaphore, #tpu.memory_space<semaphore_mem>>)
      %dma_wait3A_299 = arith.constant 0 : i32
      %dma_wait3A_300 = tpu.memref_slice %arg13[%mul3A_279, %dma_wait3A_299] : memref<10112x128xf32, #tpu.memory_space<vmem_shared>> -> memref<632x128xf32, #tpu.memory_space<vmem_shared>>
      %dma_wait3A_301 = arith.constant 0 : i32
      %dma_wait3A_302 = tpu.memref_slice %arg4[%mul3A_277, %dma_wait3A_301] : memref<10112x128xf32, #tpu.memory_space<hbm>> -> memref<632x128xf32, #tpu.memory_space<hbm>>
      tpu.wait_dma2 semaphore(%run_scoped3A : memref<!tpu.dma_semaphore, #tpu.memory_space<semaphore_mem>>) src(%dma_wait3A_302 : memref<632x128xf32, #tpu.memory_space<hbm>>) dst(%dma_wait3A_300 : memref<632x128xf32, #tpu.memory_space<vmem_shared>>)
      tpu.yield
    }) : () -> ()
    %barrier3A = arith.constant 0 : index
    tpu.barrier barrier_id(%barrier3A)
    "tpu.trace_stop"() : () -> ()
    "tpu.trace_start"() <{level = 10 : i32, message = "sc_edge_loop"}> : () -> ()
    %scan3A = arith.constant 0 : i32
    %scan3A_280 = arith.constant 0 : i32
    %scan3A_281 = arith.constant 40 : i32
    %scan3A_282 = arith.addi %scan3A_280, %scan3A_281 : i32
    %scan3A_283 = arith.constant 1 : i32
    scf.for %scan3A_295 = %scan3A_280 to %scan3A_282 step %scan3A_283  : i32 {
      %mul3A_296 = arith.constant 2 : i32
      %mul3A_297 = arith.muli %mul3A_296, %scan3A_295 : i32
      %dma_wait3A_298 = arith.constant 0 : i32
      %dma_wait3A_299 = arith.constant 0 : i32
      %dma_wait3A_300 = tpu.memref_slice %arg2[%dma_wait3A_298, %dma_wait3A_299] : memref<10000x128xf32, #tpu.memory_space<hbm>> -> memref<10000x128xf32, #tpu.memory_space<hbm>>
      tpu.wait_indirect_dma semaphore(%arg14 : memref<!tpu.dma_semaphore, #tpu.memory_space<semaphore_mem>>) src(%dma_wait3A_300 : memref<10000x128xf32, #tpu.memory_space<hbm>>) dst(%arg11 : memref<128x128xf32, #tpu.memory_space<vmem>>)
      "tpu.region"() ({
        %run_scoped3A = tpu.sem_alloc : memref<!tpu.dma_semaphore, #tpu.memory_space<semaphore_mem>>
        %dma_start3A_653 = arith.constant 0 : i32
        %dma_start3A_654 = arith.constant 0 : i32
        %dma_start3A_655 = tpu.memref_slice %arg13[%dma_start3A_653, %dma_start3A_654] : memref<10112x128xf32, #tpu.memory_space<vmem_shared>> -> memref<10112x128xf32, #tpu.memory_space<vmem_shared>>
        tpu.enqueue_indirect_dma source(%arg11 : memref<128x128xf32, #tpu.memory_space<vmem>>) target(%dma_start3A_655 : memref<10112x128xf32, #tpu.memory_space<vmem_shared>>) offsets(%arg8 : memref<128xi32, #tpu.memory_space<vmem>>) semaphore(%run_scoped3A : memref<!tpu.dma_semaphore, #tpu.memory_space<semaphore_mem>>) {add = true}
        %dma_wait3A_656 = arith.constant 0 : i32
        %dma_wait3A_657 = arith.constant 0 : i32
        %dma_wait3A_658 = tpu.memref_slice %arg13[%dma_wait3A_656, %dma_wait3A_657] : memref<10112x128xf32, #tpu.memory_space<vmem_shared>> -> memref<10112x128xf32, #tpu.memory_space<vmem_shared>>
        tpu.wait_indirect_dma semaphore(%run_scoped3A : memref<!tpu.dma_semaphore, #tpu.memory_space<semaphore_mem>>) src(%arg11 : memref<128x128xf32, #tpu.memory_space<vmem>>) dst(%dma_wait3A_658 : memref<10112x128xf32, #tpu.memory_space<vmem_shared>>)
        tpu.yield
      }) : () -> ()
      %add3A_301 = arith.constant 2 : i32
      %add3A_302 = arith.addi %mul3A_297, %add3A_301 : i32
      %min3A = arith.constant 79 : i32
      %min3A_303 = arith.minsi %add3A_302, %min3A : i32
      %mul3A_304 = arith.constant 128 : i32
      %mul3A_305 = arith.muli %min3A_303, %mul3A_304 : i32
      %add3A_306 = arith.constant 0 : i32
      %add3A_307 = arith.addi %mul3A_305, %add3A_306 : i32
      %get3A_308 = arith.index_cast %add3A_307 : i32 to index
      %get3A_309 = tpu.vector_load %arg6[%get3A_308] {strides = array<i32>} : memref<10240xi32, #tpu.memory_space<vmem>>, vector<16xi32>,
      %get3A_310 = vector.shape_cast %get3A_309 : vector<16xi32> to vector<16xi32>
      %and3A_311 = arith.constant 65535 : i32
      %and3A_312 = vector.broadcast %and3A_311 : i32 to vector<16xi32>
      %and3A_313 = arith.andi %get3A_310, %and3A_312 : vector<16xi32>
      %swap3A_314 = arith.constant 0 : index
      %swap3A_315 = tpu.vector_load %arg7[%swap3A_314] {strides = array<i32>} : memref<128xi32, #tpu.memory_space<vmem>>, vector<16xi32>,
      %swap3A_316 = vector.shape_cast %swap3A_315 : vector<16xi32> to vector<16xi32>
      %swap3A_317 = vector.shape_cast %and3A_313 : vector<16xi32> to vector<16xi32>
      tpu.vector_store %arg7[%swap3A_314], %swap3A_317 {strides = array<i32>} : memref<128xi32, #tpu.memory_space<vmem>>, vector<16xi32>,
      %shift_right_logical3A_318 = arith.constant 16 : i32
      %shift_right_logical3A_319 = vector.broadcast %shift_right_logical3A_318 : i32 to vector<16xi32>
      %shift_right_logical3A_320 = arith.shrui %get3A_310, %shift_right_logical3A_319 : vector<16xi32>
      %swap3A_321 = arith.constant 0 : index
      %swap3A_322 = tpu.vector_load %arg8[%swap3A_321] {strides = array<i32>} : memref<128xi32, #tpu.memory_space<vmem>>, vector<16xi32>,
      %swap3A_323 = vector.shape_cast %swap3A_322 : vector<16xi32> to vector<16xi32>
      %swap3A_324 = vector.shape_cast %shift_right_logical3A_320 : vector<16xi32> to vector<16xi32>
      tpu.vector_store %arg8[%swap3A_321], %swap3A_324 {strides = array<i32>} : memref<128xi32, #tpu.memory_space<vmem>>, vector<16xi32>,
      %mul3A_325 = arith.constant 128 : i32
      %mul3A_326 = arith.muli %min3A_303, %mul3A_325 : i32
      %add3A_327 = arith.constant 16 : i32
      %add3A_328 = arith.addi %mul3A_326, %add3A_327 : i32
      %get3A_329 = arith.index_cast %add3A_328 : i32 to index
      %get3A_330 = tpu.vector_load %arg6[%get3A_329] {strides = array<i32>} : memref<10240xi32, #tpu.memory_space<vmem>>, vector<16xi32>,
      %get3A_331 = vector.shape_cast %get3A_330 : vector<16xi32> to vector<16xi32>
      %and3A_332 = arith.constant 65535 : i32
      %and3A_333 = vector.broadcast %and3A_332 : i32 to vector<16xi32>
      %and3A_334 = arith.andi %get3A_331, %and3A_333 : vector<16xi32>
      %swap3A_335 = arith.constant 16 : index
      %swap3A_336 = tpu.vector_load %arg7[%swap3A_335] {strides = array<i32>} : memref<128xi32, #tpu.memory_space<vmem>>, vector<16xi32>,
      %swap3A_337 = vector.shape_cast %swap3A_336 : vector<16xi32> to vector<16xi32>
      %swap3A_338 = vector.shape_cast %and3A_334 : vector<16xi32> to vector<16xi32>
      tpu.vector_store %arg7[%swap3A_335], %swap3A_338 {strides = array<i32>} : memref<128xi32, #tpu.memory_space<vmem>>, vector<16xi32>,
      %shift_right_logical3A_339 = arith.constant 16 : i32
      %shift_right_logical3A_340 = vector.broadcast %shift_right_logical3A_339 : i32 to vector<16xi32>
      %shift_right_logical3A_341 = arith.shrui %get3A_331, %shift_right_logical3A_340 : vector<16xi32>
      %swap3A_342 = arith.constant 16 : index
      %swap3A_343 = tpu.vector_load %arg8[%swap3A_342] {strides = array<i32>} : memref<128xi32, #tpu.memory_space<vmem>>, vector<16xi32>,
      %swap3A_344 = vector.shape_cast %swap3A_343 : vector<16xi32> to vector<16xi32>
      %swap3A_345 = vector.shape_cast %shift_right_logical3A_341 : vector<16xi32> to vector<16xi32>
      tpu.vector_store %arg8[%swap3A_342], %swap3A_345 {strides = array<i32>} : memref<128xi32, #tpu.memory_space<vmem>>, vector<16xi32>,
      %mul3A_346 = arith.constant 128 : i32
      %mul3A_347 = arith.muli %min3A_303, %mul3A_346 : i32
      %add3A_348 = arith.constant 32 : i32
      %add3A_349 = arith.addi %mul3A_347, %add3A_348 : i32
      %get3A_350 = arith.index_cast %add3A_349 : i32 to index
      %get3A_351 = tpu.vector_load %arg6[%get3A_350] {strides = array<i32>} : memref<10240xi32, #tpu.memory_space<vmem>>, vector<16xi32>,
      %get3A_352 = vector.shape_cast %get3A_351 : vector<16xi32> to vector<16xi32>
      %and3A_353 = arith.constant 65535 : i32
      %and3A_354 = vector.broadcast %and3A_353 : i32 to vector<16xi32>
      %and3A_355 = arith.andi %get3A_352, %and3A_354 : vector<16xi32>
      %swap3A_356 = arith.constant 32 : index
      %swap3A_357 = tpu.vector_load %arg7[%swap3A_356] {strides = array<i32>} : memref<128xi32, #tpu.memory_space<vmem>>, vector<16xi32>,
      %swap3A_358 = vector.shape_cast %swap3A_357 : vector<16xi32> to vector<16xi32>
      %swap3A_359 = vector.shape_cast %and3A_355 : vector<16xi32> to vector<16xi32>
      tpu.vector_store %arg7[%swap3A_356], %swap3A_359 {strides = array<i32>} : memref<128xi32, #tpu.memory_space<vmem>>, vector<16xi32>,
      %shift_right_logical3A_360 = arith.constant 16 : i32
      %shift_right_logical3A_361 = vector.broadcast %shift_right_logical3A_360 : i32 to vector<16xi32>
      %shift_right_logical3A_362 = arith.shrui %get3A_352, %shift_right_logical3A_361 : vector<16xi32>
      %swap3A_363 = arith.constant 32 : index
      %swap3A_364 = tpu.vector_load %arg8[%swap3A_363] {strides = array<i32>} : memref<128xi32, #tpu.memory_space<vmem>>, vector<16xi32>,
      %swap3A_365 = vector.shape_cast %swap3A_364 : vector<16xi32> to vector<16xi32>
      %swap3A_366 = vector.shape_cast %shift_right_logical3A_362 : vector<16xi32> to vector<16xi32>
      tpu.vector_store %arg8[%swap3A_363], %swap3A_366 {strides = array<i32>} : memref<128xi32, #tpu.memory_space<vmem>>, vector<16xi32>,
      %mul3A_367 = arith.constant 128 : i32
      %mul3A_368 = arith.muli %min3A_303, %mul3A_367 : i32
      %add3A_369 = arith.constant 48 : i32
      %add3A_370 = arith.addi %mul3A_368, %add3A_369 : i32
      %get3A_371 = arith.index_cast %add3A_370 : i32 to index
      %get3A_372 = tpu.vector_load %arg6[%get3A_371] {strides = array<i32>} : memref<10240xi32, #tpu.memory_space<vmem>>, vector<16xi32>,
      %get3A_373 = vector.shape_cast %get3A_372 : vector<16xi32> to vector<16xi32>
      %and3A_374 = arith.constant 65535 : i32
      %and3A_375 = vector.broadcast %and3A_374 : i32 to vector<16xi32>
      %and3A_376 = arith.andi %get3A_373, %and3A_375 : vector<16xi32>
      %swap3A_377 = arith.constant 48 : index
      %swap3A_378 = tpu.vector_load %arg7[%swap3A_377] {strides = array<i32>} : memref<128xi32, #tpu.memory_space<vmem>>, vector<16xi32>,
      %swap3A_379 = vector.shape_cast %swap3A_378 : vector<16xi32> to vector<16xi32>
      %swap3A_380 = vector.shape_cast %and3A_376 : vector<16xi32> to vector<16xi32>
      tpu.vector_store %arg7[%swap3A_377], %swap3A_380 {strides = array<i32>} : memref<128xi32, #tpu.memory_space<vmem>>, vector<16xi32>,
      %shift_right_logical3A_381 = arith.constant 16 : i32
      %shift_right_logical3A_382 = vector.broadcast %shift_right_logical3A_381 : i32 to vector<16xi32>
      %shift_right_logical3A_383 = arith.shrui %get3A_373, %shift_right_logical3A_382 : vector<16xi32>
      %swap3A_384 = arith.constant 48 : index
      %swap3A_385 = tpu.vector_load %arg8[%swap3A_384] {strides = array<i32>} : memref<128xi32, #tpu.memory_space<vmem>>, vector<16xi32>,
      %swap3A_386 = vector.shape_cast %swap3A_385 : vector<16xi32> to vector<16xi32>
      %swap3A_387 = vector.shape_cast %shift_right_logical3A_383 : vector<16xi32> to vector<16xi32>
      tpu.vector_store %arg8[%swap3A_384], %swap3A_387 {strides = array<i32>} : memref<128xi32, #tpu.memory_space<vmem>>, vector<16xi32>,
      %mul3A_388 = arith.constant 128 : i32
      %mul3A_389 = arith.muli %min3A_303, %mul3A_388 : i32
      %add3A_390 = arith.constant 64 : i32
      %add3A_391 = arith.addi %mul3A_389, %add3A_390 : i32
      %get3A_392 = arith.index_cast %add3A_391 : i32 to index
      %get3A_393 = tpu.vector_load %arg6[%get3A_392] {strides = array<i32>} : memref<10240xi32, #tpu.memory_space<vmem>>, vector<16xi32>,
      %get3A_394 = vector.shape_cast %get3A_393 : vector<16xi32> to vector<16xi32>
      %and3A_395 = arith.constant 65535 : i32
      %and3A_396 = vector.broadcast %and3A_395 : i32 to vector<16xi32>
      %and3A_397 = arith.andi %get3A_394, %and3A_396 : vector<16xi32>
      %swap3A_398 = arith.constant 64 : index
      %swap3A_399 = tpu.vector_load %arg7[%swap3A_398] {strides = array<i32>} : memref<128xi32, #tpu.memory_space<vmem>>, vector<16xi32>,
      %swap3A_400 = vector.shape_cast %swap3A_399 : vector<16xi32> to vector<16xi32>
      %swap3A_401 = vector.shape_cast %and3A_397 : vector<16xi32> to vector<16xi32>
      tpu.vector_store %arg7[%swap3A_398], %swap3A_401 {strides = array<i32>} : memref<128xi32, #tpu.memory_space<vmem>>, vector<16xi32>,
      %shift_right_logical3A_402 = arith.constant 16 : i32
      %shift_right_logical3A_403 = vector.broadcast %shift_right_logical3A_402 : i32 to vector<16xi32>
      %shift_right_logical3A_404 = arith.shrui %get3A_394, %shift_right_logical3A_403 : vector<16xi32>
      %swap3A_405 = arith.constant 64 : index
      %swap3A_406 = tpu.vector_load %arg8[%swap3A_405] {strides = array<i32>} : memref<128xi32, #tpu.memory_space<vmem>>, vector<16xi32>,
      %swap3A_407 = vector.shape_cast %swap3A_406 : vector<16xi32> to vector<16xi32>
      %swap3A_408 = vector.shape_cast %shift_right_logical3A_404 : vector<16xi32> to vector<16xi32>
      tpu.vector_store %arg8[%swap3A_405], %swap3A_408 {strides = array<i32>} : memref<128xi32, #tpu.memory_space<vmem>>, vector<16xi32>,
      %mul3A_409 = arith.constant 128 : i32
      %mul3A_410 = arith.muli %min3A_303, %mul3A_409 : i32
      %add3A_411 = arith.constant 80 : i32
      %add3A_412 = arith.addi %mul3A_410, %add3A_411 : i32
      %get3A_413 = arith.index_cast %add3A_412 : i32 to index
      %get3A_414 = tpu.vector_load %arg6[%get3A_413] {strides = array<i32>} : memref<10240xi32, #tpu.memory_space<vmem>>, vector<16xi32>,
      %get3A_415 = vector.shape_cast %get3A_414 : vector<16xi32> to vector<16xi32>
      %and3A_416 = arith.constant 65535 : i32
      %and3A_417 = vector.broadcast %and3A_416 : i32 to vector<16xi32>
      %and3A_418 = arith.andi %get3A_415, %and3A_417 : vector<16xi32>
      %swap3A_419 = arith.constant 80 : index
      %swap3A_420 = tpu.vector_load %arg7[%swap3A_419] {strides = array<i32>} : memref<128xi32, #tpu.memory_space<vmem>>, vector<16xi32>,
      %swap3A_421 = vector.shape_cast %swap3A_420 : vector<16xi32> to vector<16xi32>
      %swap3A_422 = vector.shape_cast %and3A_418 : vector<16xi32> to vector<16xi32>
      tpu.vector_store %arg7[%swap3A_419], %swap3A_422 {strides = array<i32>} : memref<128xi32, #tpu.memory_space<vmem>>, vector<16xi32>,
      %shift_right_logical3A_423 = arith.constant 16 : i32
      %shift_right_logical3A_424 = vector.broadcast %shift_right_logical3A_423 : i32 to vector<16xi32>
      %shift_right_logical3A_425 = arith.shrui %get3A_415, %shift_right_logical3A_424 : vector<16xi32>
      %swap3A_426 = arith.constant 80 : index
      %swap3A_427 = tpu.vector_load %arg8[%swap3A_426] {strides = array<i32>} : memref<128xi32, #tpu.memory_space<vmem>>, vector<16xi32>,
      %swap3A_428 = vector.shape_cast %swap3A_427 : vector<16xi32> to vector<16xi32>
      %swap3A_429 = vector.shape_cast %shift_right_logical3A_425 : vector<16xi32> to vector<16xi32>
      tpu.vector_store %arg8[%swap3A_426], %swap3A_429 {strides = array<i32>} : memref<128xi32, #tpu.memory_space<vmem>>, vector<16xi32>,
      %mul3A_430 = arith.constant 128 : i32
      %mul3A_431 = arith.muli %min3A_303, %mul3A_430 : i32
      %add3A_432 = arith.constant 96 : i32
      %add3A_433 = arith.addi %mul3A_431, %add3A_432 : i32
      %get3A_434 = arith.index_cast %add3A_433 : i32 to index
      %get3A_435 = tpu.vector_load %arg6[%get3A_434] {strides = array<i32>} : memref<10240xi32, #tpu.memory_space<vmem>>, vector<16xi32>,
      %get3A_436 = vector.shape_cast %get3A_435 : vector<16xi32> to vector<16xi32>
      %and3A_437 = arith.constant 65535 : i32
      %and3A_438 = vector.broadcast %and3A_437 : i32 to vector<16xi32>
      %and3A_439 = arith.andi %get3A_436, %and3A_438 : vector<16xi32>
      %swap3A_440 = arith.constant 96 : index
      %swap3A_441 = tpu.vector_load %arg7[%swap3A_440] {strides = array<i32>} : memref<128xi32, #tpu.memory_space<vmem>>, vector<16xi32>,
      %swap3A_442 = vector.shape_cast %swap3A_441 : vector<16xi32> to vector<16xi32>
      %swap3A_443 = vector.shape_cast %and3A_439 : vector<16xi32> to vector<16xi32>
      tpu.vector_store %arg7[%swap3A_440], %swap3A_443 {strides = array<i32>} : memref<128xi32, #tpu.memory_space<vmem>>, vector<16xi32>,
      %shift_right_logical3A_444 = arith.constant 16 : i32
      %shift_right_logical3A_445 = vector.broadcast %shift_right_logical3A_444 : i32 to vector<16xi32>
      %shift_right_logical3A_446 = arith.shrui %get3A_436, %shift_right_logical3A_445 : vector<16xi32>
      %swap3A_447 = arith.constant 96 : index
      %swap3A_448 = tpu.vector_load %arg8[%swap3A_447] {strides = array<i32>} : memref<128xi32, #tpu.memory_space<vmem>>, vector<16xi32>,
      %swap3A_449 = vector.shape_cast %swap3A_448 : vector<16xi32> to vector<16xi32>
      %swap3A_450 = vector.shape_cast %shift_right_logical3A_446 : vector<16xi32> to vector<16xi32>
      tpu.vector_store %arg8[%swap3A_447], %swap3A_450 {strides = array<i32>} : memref<128xi32, #tpu.memory_space<vmem>>, vector<16xi32>,
      %mul3A_451 = arith.constant 128 : i32
      %mul3A_452 = arith.muli %min3A_303, %mul3A_451 : i32
      %add3A_453 = arith.constant 112 : i32
      %add3A_454 = arith.addi %mul3A_452, %add3A_453 : i32
      %get3A_455 = arith.index_cast %add3A_454 : i32 to index
      %get3A_456 = tpu.vector_load %arg6[%get3A_455] {strides = array<i32>} : memref<10240xi32, #tpu.memory_space<vmem>>, vector<16xi32>,
      %get3A_457 = vector.shape_cast %get3A_456 : vector<16xi32> to vector<16xi32>
      %and3A_458 = arith.constant 65535 : i32
      %and3A_459 = vector.broadcast %and3A_458 : i32 to vector<16xi32>
      %and3A_460 = arith.andi %get3A_457, %and3A_459 : vector<16xi32>
      %swap3A_461 = arith.constant 112 : index
      %swap3A_462 = tpu.vector_load %arg7[%swap3A_461] {strides = array<i32>} : memref<128xi32, #tpu.memory_space<vmem>>, vector<16xi32>,
      %swap3A_463 = vector.shape_cast %swap3A_462 : vector<16xi32> to vector<16xi32>
      %swap3A_464 = vector.shape_cast %and3A_460 : vector<16xi32> to vector<16xi32>
      tpu.vector_store %arg7[%swap3A_461], %swap3A_464 {strides = array<i32>} : memref<128xi32, #tpu.memory_space<vmem>>, vector<16xi32>,
      %shift_right_logical3A_465 = arith.constant 16 : i32
      %shift_right_logical3A_466 = vector.broadcast %shift_right_logical3A_465 : i32 to vector<16xi32>
      %shift_right_logical3A_467 = arith.shrui %get3A_457, %shift_right_logical3A_466 : vector<16xi32>
      %swap3A_468 = arith.constant 112 : index
      %swap3A_469 = tpu.vector_load %arg8[%swap3A_468] {strides = array<i32>} : memref<128xi32, #tpu.memory_space<vmem>>, vector<16xi32>,
      %swap3A_470 = vector.shape_cast %swap3A_469 : vector<16xi32> to vector<16xi32>
      %swap3A_471 = vector.shape_cast %shift_right_logical3A_467 : vector<16xi32> to vector<16xi32>
      tpu.vector_store %arg8[%swap3A_468], %swap3A_471 {strides = array<i32>} : memref<128xi32, #tpu.memory_space<vmem>>, vector<16xi32>,
      %dma_start3A_472 = arith.constant 0 : i32
      %dma_start3A_473 = arith.constant 0 : i32
      %dma_start3A_474 = tpu.memref_slice %arg2[%dma_start3A_472, %dma_start3A_473] : memref<10000x128xf32, #tpu.memory_space<hbm>> -> memref<10000x128xf32, #tpu.memory_space<hbm>>
      tpu.enqueue_indirect_dma source(%dma_start3A_474 : memref<10000x128xf32, #tpu.memory_space<hbm>>) target(%arg11 : memref<128x128xf32, #tpu.memory_space<vmem>>) offsets(%arg7 : memref<128xi32, #tpu.memory_space<vmem>>) semaphore(%arg14 : memref<!tpu.dma_semaphore, #tpu.memory_space<semaphore_mem>>)
      %dma_wait3A_475 = arith.constant 0 : i32
      %dma_wait3A_476 = arith.constant 0 : i32
      %dma_wait3A_477 = tpu.memref_slice %arg2[%dma_wait3A_475, %dma_wait3A_476] : memref<10000x128xf32, #tpu.memory_space<hbm>> -> memref<10000x128xf32, #tpu.memory_space<hbm>>
      tpu.wait_indirect_dma semaphore(%arg15 : memref<!tpu.dma_semaphore, #tpu.memory_space<semaphore_mem>>) src(%dma_wait3A_477 : memref<10000x128xf32, #tpu.memory_space<hbm>>) dst(%arg12 : memref<128x128xf32, #tpu.memory_space<vmem>>)
      "tpu.region"() ({
        %run_scoped3A = tpu.sem_alloc : memref<!tpu.dma_semaphore, #tpu.memory_space<semaphore_mem>>
        %dma_start3A_653 = arith.constant 0 : i32
        %dma_start3A_654 = arith.constant 0 : i32
        %dma_start3A_655 = tpu.memref_slice %arg13[%dma_start3A_653, %dma_start3A_654] : memref<10112x128xf32, #tpu.memory_space<vmem_shared>> -> memref<10112x128xf32, #tpu.memory_space<vmem_shared>>
        tpu.enqueue_indirect_dma source(%arg12 : memref<128x128xf32, #tpu.memory_space<vmem>>) target(%dma_start3A_655 : memref<10112x128xf32, #tpu.memory_space<vmem_shared>>) offsets(%arg10 : memref<128xi32, #tpu.memory_space<vmem>>) semaphore(%run_scoped3A : memref<!tpu.dma_semaphore, #tpu.memory_space<semaphore_mem>>) {add = true}
        %dma_wait3A_656 = arith.constant 0 : i32
        %dma_wait3A_657 = arith.constant 0 : i32
        %dma_wait3A_658 = tpu.memref_slice %arg13[%dma_wait3A_656, %dma_wait3A_657] : memref<10112x128xf32, #tpu.memory_space<vmem_shared>> -> memref<10112x128xf32, #tpu.memory_space<vmem_shared>>
        tpu.wait_indirect_dma semaphore(%run_scoped3A : memref<!tpu.dma_semaphore, #tpu.memory_space<semaphore_mem>>) src(%arg12 : memref<128x128xf32, #tpu.memory_space<vmem>>) dst(%dma_wait3A_658 : memref<10112x128xf32, #tpu.memory_space<vmem_shared>>)
        tpu.yield
      }) : () -> ()
      %add3A_478 = arith.constant 3 : i32
      %add3A_479 = arith.addi %mul3A_297, %add3A_478 : i32
      %min3A_480 = arith.constant 79 : i32
      %min3A_481 = arith.minsi %add3A_479, %min3A_480 : i32
      %mul3A_482 = arith.constant 128 : i32
      %mul3A_483 = arith.muli %min3A_481, %mul3A_482 : i32
      %add3A_484 = arith.constant 0 : i32
      %add3A_485 = arith.addi %mul3A_483, %add3A_484 : i32
      %get3A_486 = arith.index_cast %add3A_485 : i32 to index
      %get3A_487 = tpu.vector_load %arg6[%get3A_486] {strides = array<i32>} : memref<10240xi32, #tpu.memory_space<vmem>>, vector<16xi32>,
      %get3A_488 = vector.shape_cast %get3A_487 : vector<16xi32> to vector<16xi32>
      %and3A_489 = arith.constant 65535 : i32
      %and3A_490 = vector.broadcast %and3A_489 : i32 to vector<16xi32>
      %and3A_491 = arith.andi %get3A_488, %and3A_490 : vector<16xi32>
      %swap3A_492 = arith.constant 0 : index
      %swap3A_493 = tpu.vector_load %arg9[%swap3A_492] {strides = array<i32>} : memref<128xi32, #tpu.memory_space<vmem>>, vector<16xi32>,
      %swap3A_494 = vector.shape_cast %swap3A_493 : vector<16xi32> to vector<16xi32>
      %swap3A_495 = vector.shape_cast %and3A_491 : vector<16xi32> to vector<16xi32>
      tpu.vector_store %arg9[%swap3A_492], %swap3A_495 {strides = array<i32>} : memref<128xi32, #tpu.memory_space<vmem>>, vector<16xi32>,
      %shift_right_logical3A_496 = arith.constant 16 : i32
      %shift_right_logical3A_497 = vector.broadcast %shift_right_logical3A_496 : i32 to vector<16xi32>
      %shift_right_logical3A_498 = arith.shrui %get3A_488, %shift_right_logical3A_497 : vector<16xi32>
      %swap3A_499 = arith.constant 0 : index
      %swap3A_500 = tpu.vector_load %arg10[%swap3A_499] {strides = array<i32>} : memref<128xi32, #tpu.memory_space<vmem>>, vector<16xi32>,
      %swap3A_501 = vector.shape_cast %swap3A_500 : vector<16xi32> to vector<16xi32>
      %swap3A_502 = vector.shape_cast %shift_right_logical3A_498 : vector<16xi32> to vector<16xi32>
      tpu.vector_store %arg10[%swap3A_499], %swap3A_502 {strides = array<i32>} : memref<128xi32, #tpu.memory_space<vmem>>, vector<16xi32>,
      %mul3A_503 = arith.constant 128 : i32
      %mul3A_504 = arith.muli %min3A_481, %mul3A_503 : i32
      %add3A_505 = arith.constant 16 : i32
      %add3A_506 = arith.addi %mul3A_504, %add3A_505 : i32
      %get3A_507 = arith.index_cast %add3A_506 : i32 to index
      %get3A_508 = tpu.vector_load %arg6[%get3A_507] {strides = array<i32>} : memref<10240xi32, #tpu.memory_space<vmem>>, vector<16xi32>,
      %get3A_509 = vector.shape_cast %get3A_508 : vector<16xi32> to vector<16xi32>
      %and3A_510 = arith.constant 65535 : i32
      %and3A_511 = vector.broadcast %and3A_510 : i32 to vector<16xi32>
      %and3A_512 = arith.andi %get3A_509, %and3A_511 : vector<16xi32>
      %swap3A_513 = arith.constant 16 : index
      %swap3A_514 = tpu.vector_load %arg9[%swap3A_513] {strides = array<i32>} : memref<128xi32, #tpu.memory_space<vmem>>, vector<16xi32>,
      %swap3A_515 = vector.shape_cast %swap3A_514 : vector<16xi32> to vector<16xi32>
      %swap3A_516 = vector.shape_cast %and3A_512 : vector<16xi32> to vector<16xi32>
      tpu.vector_store %arg9[%swap3A_513], %swap3A_516 {strides = array<i32>} : memref<128xi32, #tpu.memory_space<vmem>>, vector<16xi32>,
      %shift_right_logical3A_517 = arith.constant 16 : i32
      %shift_right_logical3A_518 = vector.broadcast %shift_right_logical3A_517 : i32 to vector<16xi32>
      %shift_right_logical3A_519 = arith.shrui %get3A_509, %shift_right_logical3A_518 : vector<16xi32>
      %swap3A_520 = arith.constant 16 : index
      %swap3A_521 = tpu.vector_load %arg10[%swap3A_520] {strides = array<i32>} : memref<128xi32, #tpu.memory_space<vmem>>, vector<16xi32>,
      %swap3A_522 = vector.shape_cast %swap3A_521 : vector<16xi32> to vector<16xi32>
      %swap3A_523 = vector.shape_cast %shift_right_logical3A_519 : vector<16xi32> to vector<16xi32>
      tpu.vector_store %arg10[%swap3A_520], %swap3A_523 {strides = array<i32>} : memref<128xi32, #tpu.memory_space<vmem>>, vector<16xi32>,
      %mul3A_524 = arith.constant 128 : i32
      %mul3A_525 = arith.muli %min3A_481, %mul3A_524 : i32
      %add3A_526 = arith.constant 32 : i32
      %add3A_527 = arith.addi %mul3A_525, %add3A_526 : i32
      %get3A_528 = arith.index_cast %add3A_527 : i32 to index
      %get3A_529 = tpu.vector_load %arg6[%get3A_528] {strides = array<i32>} : memref<10240xi32, #tpu.memory_space<vmem>>, vector<16xi32>,
      %get3A_530 = vector.shape_cast %get3A_529 : vector<16xi32> to vector<16xi32>
      %and3A_531 = arith.constant 65535 : i32
      %and3A_532 = vector.broadcast %and3A_531 : i32 to vector<16xi32>
      %and3A_533 = arith.andi %get3A_530, %and3A_532 : vector<16xi32>
      %swap3A_534 = arith.constant 32 : index
      %swap3A_535 = tpu.vector_load %arg9[%swap3A_534] {strides = array<i32>} : memref<128xi32, #tpu.memory_space<vmem>>, vector<16xi32>,
      %swap3A_536 = vector.shape_cast %swap3A_535 : vector<16xi32> to vector<16xi32>
      %swap3A_537 = vector.shape_cast %and3A_533 : vector<16xi32> to vector<16xi32>
      tpu.vector_store %arg9[%swap3A_534], %swap3A_537 {strides = array<i32>} : memref<128xi32, #tpu.memory_space<vmem>>, vector<16xi32>,
      %shift_right_logical3A_538 = arith.constant 16 : i32
      %shift_right_logical3A_539 = vector.broadcast %shift_right_logical3A_538 : i32 to vector<16xi32>
      %shift_right_logical3A_540 = arith.shrui %get3A_530, %shift_right_logical3A_539 : vector<16xi32>
      %swap3A_541 = arith.constant 32 : index
      %swap3A_542 = tpu.vector_load %arg10[%swap3A_541] {strides = array<i32>} : memref<128xi32, #tpu.memory_space<vmem>>, vector<16xi32>,
      %swap3A_543 = vector.shape_cast %swap3A_542 : vector<16xi32> to vector<16xi32>
      %swap3A_544 = vector.shape_cast %shift_right_logical3A_540 : vector<16xi32> to vector<16xi32>
      tpu.vector_store %arg10[%swap3A_541], %swap3A_544 {strides = array<i32>} : memref<128xi32, #tpu.memory_space<vmem>>, vector<16xi32>,
      %mul3A_545 = arith.constant 128 : i32
      %mul3A_546 = arith.muli %min3A_481, %mul3A_545 : i32
      %add3A_547 = arith.constant 48 : i32
      %add3A_548 = arith.addi %mul3A_546, %add3A_547 : i32
      %get3A_549 = arith.index_cast %add3A_548 : i32 to index
      %get3A_550 = tpu.vector_load %arg6[%get3A_549] {strides = array<i32>} : memref<10240xi32, #tpu.memory_space<vmem>>, vector<16xi32>,
      %get3A_551 = vector.shape_cast %get3A_550 : vector<16xi32> to vector<16xi32>
      %and3A_552 = arith.constant 65535 : i32
      %and3A_553 = vector.broadcast %and3A_552 : i32 to vector<16xi32>
      %and3A_554 = arith.andi %get3A_551, %and3A_553 : vector<16xi32>
      %swap3A_555 = arith.constant 48 : index
      %swap3A_556 = tpu.vector_load %arg9[%swap3A_555] {strides = array<i32>} : memref<128xi32, #tpu.memory_space<vmem>>, vector<16xi32>,
      %swap3A_557 = vector.shape_cast %swap3A_556 : vector<16xi32> to vector<16xi32>
      %swap3A_558 = vector.shape_cast %and3A_554 : vector<16xi32> to vector<16xi32>
      tpu.vector_store %arg9[%swap3A_555], %swap3A_558 {strides = array<i32>} : memref<128xi32, #tpu.memory_space<vmem>>, vector<16xi32>,
      %shift_right_logical3A_559 = arith.constant 16 : i32
      %shift_right_logical3A_560 = vector.broadcast %shift_right_logical3A_559 : i32 to vector<16xi32>
      %shift_right_logical3A_561 = arith.shrui %get3A_551, %shift_right_logical3A_560 : vector<16xi32>
      %swap3A_562 = arith.constant 48 : index
      %swap3A_563 = tpu.vector_load %arg10[%swap3A_562] {strides = array<i32>} : memref<128xi32, #tpu.memory_space<vmem>>, vector<16xi32>,
      %swap3A_564 = vector.shape_cast %swap3A_563 : vector<16xi32> to vector<16xi32>
      %swap3A_565 = vector.shape_cast %shift_right_logical3A_561 : vector<16xi32> to vector<16xi32>
      tpu.vector_store %arg10[%swap3A_562], %swap3A_565 {strides = array<i32>} : memref<128xi32, #tpu.memory_space<vmem>>, vector<16xi32>,
      %mul3A_566 = arith.constant 128 : i32
      %mul3A_567 = arith.muli %min3A_481, %mul3A_566 : i32
      %add3A_568 = arith.constant 64 : i32
      %add3A_569 = arith.addi %mul3A_567, %add3A_568 : i32
      %get3A_570 = arith.index_cast %add3A_569 : i32 to index
      %get3A_571 = tpu.vector_load %arg6[%get3A_570] {strides = array<i32>} : memref<10240xi32, #tpu.memory_space<vmem>>, vector<16xi32>,
      %get3A_572 = vector.shape_cast %get3A_571 : vector<16xi32> to vector<16xi32>
      %and3A_573 = arith.constant 65535 : i32
      %and3A_574 = vector.broadcast %and3A_573 : i32 to vector<16xi32>
      %and3A_575 = arith.andi %get3A_572, %and3A_574 : vector<16xi32>
      %swap3A_576 = arith.constant 64 : index
      %swap3A_577 = tpu.vector_load %arg9[%swap3A_576] {strides = array<i32>} : memref<128xi32, #tpu.memory_space<vmem>>, vector<16xi32>,
      %swap3A_578 = vector.shape_cast %swap3A_577 : vector<16xi32> to vector<16xi32>
      %swap3A_579 = vector.shape_cast %and3A_575 : vector<16xi32> to vector<16xi32>
      tpu.vector_store %arg9[%swap3A_576], %swap3A_579 {strides = array<i32>} : memref<128xi32, #tpu.memory_space<vmem>>, vector<16xi32>,
      %shift_right_logical3A_580 = arith.constant 16 : i32
      %shift_right_logical3A_581 = vector.broadcast %shift_right_logical3A_580 : i32 to vector<16xi32>
      %shift_right_logical3A_582 = arith.shrui %get3A_572, %shift_right_logical3A_581 : vector<16xi32>
      %swap3A_583 = arith.constant 64 : index
      %swap3A_584 = tpu.vector_load %arg10[%swap3A_583] {strides = array<i32>} : memref<128xi32, #tpu.memory_space<vmem>>, vector<16xi32>,
      %swap3A_585 = vector.shape_cast %swap3A_584 : vector<16xi32> to vector<16xi32>
      %swap3A_586 = vector.shape_cast %shift_right_logical3A_582 : vector<16xi32> to vector<16xi32>
      tpu.vector_store %arg10[%swap3A_583], %swap3A_586 {strides = array<i32>} : memref<128xi32, #tpu.memory_space<vmem>>, vector<16xi32>,
      %mul3A_587 = arith.constant 128 : i32
      %mul3A_588 = arith.muli %min3A_481, %mul3A_587 : i32
      %add3A_589 = arith.constant 80 : i32
      %add3A_590 = arith.addi %mul3A_588, %add3A_589 : i32
      %get3A_591 = arith.index_cast %add3A_590 : i32 to index
      %get3A_592 = tpu.vector_load %arg6[%get3A_591] {strides = array<i32>} : memref<10240xi32, #tpu.memory_space<vmem>>, vector<16xi32>,
      %get3A_593 = vector.shape_cast %get3A_592 : vector<16xi32> to vector<16xi32>
      %and3A_594 = arith.constant 65535 : i32
      %and3A_595 = vector.broadcast %and3A_594 : i32 to vector<16xi32>
      %and3A_596 = arith.andi %get3A_593, %and3A_595 : vector<16xi32>
      %swap3A_597 = arith.constant 80 : index
      %swap3A_598 = tpu.vector_load %arg9[%swap3A_597] {strides = array<i32>} : memref<128xi32, #tpu.memory_space<vmem>>, vector<16xi32>,
      %swap3A_599 = vector.shape_cast %swap3A_598 : vector<16xi32> to vector<16xi32>
      %swap3A_600 = vector.shape_cast %and3A_596 : vector<16xi32> to vector<16xi32>
      tpu.vector_store %arg9[%swap3A_597], %swap3A_600 {strides = array<i32>} : memref<128xi32, #tpu.memory_space<vmem>>, vector<16xi32>,
      %shift_right_logical3A_601 = arith.constant 16 : i32
      %shift_right_logical3A_602 = vector.broadcast %shift_right_logical3A_601 : i32 to vector<16xi32>
      %shift_right_logical3A_603 = arith.shrui %get3A_593, %shift_right_logical3A_602 : vector<16xi32>
      %swap3A_604 = arith.constant 80 : index
      %swap3A_605 = tpu.vector_load %arg10[%swap3A_604] {strides = array<i32>} : memref<128xi32, #tpu.memory_space<vmem>>, vector<16xi32>,
      %swap3A_606 = vector.shape_cast %swap3A_605 : vector<16xi32> to vector<16xi32>
      %swap3A_607 = vector.shape_cast %shift_right_logical3A_603 : vector<16xi32> to vector<16xi32>
      tpu.vector_store %arg10[%swap3A_604], %swap3A_607 {strides = array<i32>} : memref<128xi32, #tpu.memory_space<vmem>>, vector<16xi32>,
      %mul3A_608 = arith.constant 128 : i32
      %mul3A_609 = arith.muli %min3A_481, %mul3A_608 : i32
      %add3A_610 = arith.constant 96 : i32
      %add3A_611 = arith.addi %mul3A_609, %add3A_610 : i32
      %get3A_612 = arith.index_cast %add3A_611 : i32 to index
      %get3A_613 = tpu.vector_load %arg6[%get3A_612] {strides = array<i32>} : memref<10240xi32, #tpu.memory_space<vmem>>, vector<16xi32>,
      %get3A_614 = vector.shape_cast %get3A_613 : vector<16xi32> to vector<16xi32>
      %and3A_615 = arith.constant 65535 : i32
      %and3A_616 = vector.broadcast %and3A_615 : i32 to vector<16xi32>
      %and3A_617 = arith.andi %get3A_614, %and3A_616 : vector<16xi32>
      %swap3A_618 = arith.constant 96 : index
      %swap3A_619 = tpu.vector_load %arg9[%swap3A_618] {strides = array<i32>} : memref<128xi32, #tpu.memory_space<vmem>>, vector<16xi32>,
      %swap3A_620 = vector.shape_cast %swap3A_619 : vector<16xi32> to vector<16xi32>
      %swap3A_621 = vector.shape_cast %and3A_617 : vector<16xi32> to vector<16xi32>
      tpu.vector_store %arg9[%swap3A_618], %swap3A_621 {strides = array<i32>} : memref<128xi32, #tpu.memory_space<vmem>>, vector<16xi32>,
      %shift_right_logical3A_622 = arith.constant 16 : i32
      %shift_right_logical3A_623 = vector.broadcast %shift_right_logical3A_622 : i32 to vector<16xi32>
      %shift_right_logical3A_624 = arith.shrui %get3A_614, %shift_right_logical3A_623 : vector<16xi32>
      %swap3A_625 = arith.constant 96 : index
      %swap3A_626 = tpu.vector_load %arg10[%swap3A_625] {strides = array<i32>} : memref<128xi32, #tpu.memory_space<vmem>>, vector<16xi32>,
      %swap3A_627 = vector.shape_cast %swap3A_626 : vector<16xi32> to vector<16xi32>
      %swap3A_628 = vector.shape_cast %shift_right_logical3A_624 : vector<16xi32> to vector<16xi32>
      tpu.vector_store %arg10[%swap3A_625], %swap3A_628 {strides = array<i32>} : memref<128xi32, #tpu.memory_space<vmem>>, vector<16xi32>,
      %mul3A_629 = arith.constant 128 : i32
      %mul3A_630 = arith.muli %min3A_481, %mul3A_629 : i32
      %add3A_631 = arith.constant 112 : i32
      %add3A_632 = arith.addi %mul3A_630, %add3A_631 : i32
      %get3A_633 = arith.index_cast %add3A_632 : i32 to index
      %get3A_634 = tpu.vector_load %arg6[%get3A_633] {strides = array<i32>} : memref<10240xi32, #tpu.memory_space<vmem>>, vector<16xi32>,
      %get3A_635 = vector.shape_cast %get3A_634 : vector<16xi32> to vector<16xi32>
      %and3A_636 = arith.constant 65535 : i32
      %and3A_637 = vector.broadcast %and3A_636 : i32 to vector<16xi32>
      %and3A_638 = arith.andi %get3A_635, %and3A_637 : vector<16xi32>
      %swap3A_639 = arith.constant 112 : index
      %swap3A_640 = tpu.vector_load %arg9[%swap3A_639] {strides = array<i32>} : memref<128xi32, #tpu.memory_space<vmem>>, vector<16xi32>,
      %swap3A_641 = vector.shape_cast %swap3A_640 : vector<16xi32> to vector<16xi32>
      %swap3A_642 = vector.shape_cast %and3A_638 : vector<16xi32> to vector<16xi32>
      tpu.vector_store %arg9[%swap3A_639], %swap3A_642 {strides = array<i32>} : memref<128xi32, #tpu.memory_space<vmem>>, vector<16xi32>,
      %shift_right_logical3A_643 = arith.constant 16 : i32
      %shift_right_logical3A_644 = vector.broadcast %shift_right_logical3A_643 : i32 to vector<16xi32>
      %shift_right_logical3A_645 = arith.shrui %get3A_635, %shift_right_logical3A_644 : vector<16xi32>
      %swap3A_646 = arith.constant 112 : index
      %swap3A_647 = tpu.vector_load %arg10[%swap3A_646] {strides = array<i32>} : memref<128xi32, #tpu.memory_space<vmem>>, vector<16xi32>,
      %swap3A_648 = vector.shape_cast %swap3A_647 : vector<16xi32> to vector<16xi32>
      %swap3A_649 = vector.shape_cast %shift_right_logical3A_645 : vector<16xi32> to vector<16xi32>
      tpu.vector_store %arg10[%swap3A_646], %swap3A_649 {strides = array<i32>} : memref<128xi32, #tpu.memory_space<vmem>>, vector<16xi32>,
      %dma_start3A_650 = arith.constant 0 : i32
      %dma_start3A_651 = arith.constant 0 : i32
      %dma_start3A_652 = tpu.memref_slice %arg2[%dma_start3A_650, %dma_start3A_651] : memref<10000x128xf32, #tpu.memory_space<hbm>> -> memref<10000x128xf32, #tpu.memory_space<hbm>>
      tpu.enqueue_indirect_dma source(%dma_start3A_652 : memref<10000x128xf32, #tpu.memory_space<hbm>>) target(%arg12 : memref<128x128xf32, #tpu.memory_space<vmem>>) offsets(%arg9 : memref<128xi32, #tpu.memory_space<vmem>>) semaphore(%arg15 : memref<!tpu.dma_semaphore, #tpu.memory_space<semaphore_mem>>)
    }
    %scan3A_284 = arith.constant 40 : i32
    %dma_wait3A = arith.constant 0 : i32
    %dma_wait3A_285 = arith.constant 0 : i32
    %dma_wait3A_286 = tpu.memref_slice %arg2[%dma_wait3A, %dma_wait3A_285] : memref<10000x128xf32, #tpu.memory_space<hbm>> -> memref<10000x128xf32, #tpu.memory_space<hbm>>
    tpu.wait_indirect_dma semaphore(%arg14 : memref<!tpu.dma_semaphore, #tpu.memory_space<semaphore_mem>>) src(%dma_wait3A_286 : memref<10000x128xf32, #tpu.memory_space<hbm>>) dst(%arg11 : memref<128x128xf32, #tpu.memory_space<vmem>>)
    %dma_wait3A_287 = arith.constant 0 : i32
    %dma_wait3A_288 = arith.constant 0 : i32
    %dma_wait3A_289 = tpu.memref_slice %arg2[%dma_wait3A_287, %dma_wait3A_288] : memref<10000x128xf32, #tpu.memory_space<hbm>> -> memref<10000x128xf32, #tpu.memory_space<hbm>>
    tpu.wait_indirect_dma semaphore(%arg15 : memref<!tpu.dma_semaphore, #tpu.memory_space<semaphore_mem>>) src(%dma_wait3A_289 : memref<10000x128xf32, #tpu.memory_space<hbm>>) dst(%arg12 : memref<128x128xf32, #tpu.memory_space<vmem>>)
    %barrier3A_290 = arith.constant 0 : index
    tpu.barrier barrier_id(%barrier3A_290)
    "tpu.trace_stop"() : () -> ()
    "tpu.trace_start"() <{level = 10 : i32, message = "sc_writeback"}> : () -> ()
    %mul3A_291 = arith.constant 632 : i32
    %mul3A_292 = arith.muli %arg1, %mul3A_291 : i32
    %mul3A_293 = arith.constant 632 : i32
    %mul3A_294 = arith.muli %arg1, %mul3A_293 : i32
    "tpu.region"() ({
      %run_scoped3A = tpu.sem_alloc : memref<!tpu.dma_semaphore, #tpu.memory_space<semaphore_mem>>
      %dma_start3A_295 = arith.constant 0 : i32
      %dma_start3A_296 = tpu.memref_slice %arg5[%arg0, %mul3A_294, %dma_start3A_295] : memref<2x10112x128xf32, #tpu.memory_space<hbm>> -> memref<1x632x128xf32, #tpu.memory_space<hbm>>
      %dma_start3A_297 = tpu.memref_squeeze %dma_start3A_296 : memref<1x632x128xf32, #tpu.memory_space<hbm>> -> memref<632x128xf32, #tpu.memory_space<hbm>>
      %dma_start3A_298 = arith.constant 0 : i32
      %dma_start3A_299 = tpu.memref_slice %arg13[%mul3A_292, %dma_start3A_298] : memref<10112x128xf32, #tpu.memory_space<vmem_shared>> -> memref<632x128xf32, #tpu.memory_space<vmem_shared>>
      tpu.enqueue_dma source(%dma_start3A_299 : memref<632x128xf32, #tpu.memory_space<vmem_shared>>) target(%dma_start3A_297 : memref<632x128xf32, #tpu.memory_space<hbm>>) target_semaphore(%run_scoped3A : memref<!tpu.dma_semaphore, #tpu.memory_space<semaphore_mem>>)
      %dma_wait3A_300 = arith.constant 0 : i32
      %dma_wait3A_301 = tpu.memref_slice %arg5[%arg0, %mul3A_294, %dma_wait3A_300] : memref<2x10112x128xf32, #tpu.memory_space<hbm>> -> memref<1x632x128xf32, #tpu.memory_space<hbm>>
      %dma_wait3A_302 = tpu.memref_squeeze %dma_wait3A_301 : memref<1x632x128xf32, #tpu.memory_space<hbm>> -> memref<632x128xf32, #tpu.memory_space<hbm>>
      %dma_wait3A_303 = arith.constant 0 : i32
      %dma_wait3A_304 = tpu.memref_slice %arg13[%mul3A_292, %dma_wait3A_303] : memref<10112x128xf32, #tpu.memory_space<vmem_shared>> -> memref<632x128xf32, #tpu.memory_space<vmem_shared>>
      tpu.wait_dma2 semaphore(%run_scoped3A : memref<!tpu.dma_semaphore, #tpu.memory_space<semaphore_mem>>) src(%dma_wait3A_304 : memref<632x128xf32, #tpu.memory_space<vmem_shared>>) dst(%dma_wait3A_302 : memref<632x128xf32, #tpu.memory_space<hbm>>)
      tpu.yield
    }) : () -> ()
    "tpu.trace_stop"() : () -> ()
    return
  }
}

module attributes {stable_mosaic.version = 14 : i64} {
  func.func @_mlp_body(%arg0: i32, %arg1: memref<1x1xf32, #tpu.memory_space<smem>>, %arg2: memref<5000x128xf32, #tpu.memory_space<vmem>>, %arg3: memref<1x5000x128xf32, #tpu.memory_space<vmem>>, %arg4: memref<1x5000x128xf32, #tpu.memory_space<vmem>>, %arg5: memref<128x128xf32, #tpu.memory_space<vmem>>, %arg6: memref<1x128xf32, #tpu.memory_space<vmem>>, %arg7: memref<128x128xf32, #tpu.memory_space<vmem>>, %arg8: memref<1x128xf32, #tpu.memory_space<vmem>>, %arg9: memref<5000x128xf32, #tpu.memory_space<vmem>>) attributes {dimension_semantics = [#tpu.dimension_semantics<arbitrary>], iteration_bounds = array<i64: 2>, scalar_prefetch = 0 : i64, scratch_operands = 0 : i64, tpu.core_type = #tpu.core_type<tc>, window_params = [{transform_indices = @transform_0, window_bounds = array<i64: 1, 1>}, {transform_indices = @transform_1, window_bounds = array<i64: 5000, 128>}, {transform_indices = @transform_2, window_bounds = array<i64: 1, 5000, 128>}, {transform_indices = @transform_3, window_bounds = array<i64: 1, 5000, 128>}, {pipeline_mode = #tpu.pipeline_mode<synchronous>, transform_indices = @transform_4, window_bounds = array<i64: 128, 128>}, {pipeline_mode = #tpu.pipeline_mode<synchronous>, transform_indices = @transform_5, window_bounds = array<i64: 1, 128>}, {pipeline_mode = #tpu.pipeline_mode<synchronous>, transform_indices = @transform_6, window_bounds = array<i64: 128, 128>}, {pipeline_mode = #tpu.pipeline_mode<synchronous>, transform_indices = @transform_7, window_bounds = array<i64: 1, 128>}, {transform_indices = @transform_8, window_bounds = array<i64: 5000, 128>}]} {
    %get3A = arith.constant 0 : index
    %get3A_0 = arith.constant 0 : index
    %get3A_1 = memref.load %arg1[%get3A, %get3A_0] : memref<1x1xf32, #tpu.memory_space<smem>>
    %add3A = arith.constant 1.000000e+00 : f32
    %add3A_2 = arith.addf %add3A, %get3A_1 : f32
    %get3A_3 = arith.constant 0 : index
    %get3A_4 = arith.constant 0 : index
    %get3A_5 = vector.load %arg2[%get3A_3, %get3A_4] : memref<5000x128xf32, #tpu.memory_space<vmem>>, vector<5000x128xf32>
    %mul3A = vector.broadcast %add3A_2 : f32 to vector<5000x128xf32>
    %mul3A_6 = arith.mulf %mul3A, %get3A_5 : vector<5000x128xf32>
    %get3A_7 = arith.constant 0 : index
    %get3A_8 = arith.constant 0 : index
    %get3A_9 = arith.constant 0 : index
    %get3A_10 = vector.load %arg3[%get3A_7, %get3A_8, %get3A_9] : memref<1x5000x128xf32, #tpu.memory_space<vmem>>, vector<1x5000x128xf32>
    %get3A_11 = vector.shape_cast %get3A_10 : vector<1x5000x128xf32> to vector<5000x128xf32>
    %add3A_12 = arith.addf %mul3A_6, %get3A_11 : vector<5000x128xf32>
    %get3A_13 = arith.constant 0 : index
    %get3A_14 = arith.constant 0 : index
    %get3A_15 = arith.constant 0 : index
    %get3A_16 = vector.load %arg4[%get3A_13, %get3A_14, %get3A_15] : memref<1x5000x128xf32, #tpu.memory_space<vmem>>, vector<1x5000x128xf32>
    %get3A_17 = vector.shape_cast %get3A_16 : vector<1x5000x128xf32> to vector<5000x128xf32>
    %add3A_18 = arith.addf %add3A_12, %get3A_17 : vector<5000x128xf32>
    %get3A_19 = arith.constant 0 : index
    %get3A_20 = arith.constant 0 : index
    %get3A_21 = vector.load %arg5[%get3A_19, %get3A_20] : memref<128x128xf32, #tpu.memory_space<vmem>>, vector<128x128xf32>
    %dot_general3A = arith.constant dense<0.000000e+00> : vector<5000x128xf32>
    %dot_general3A_22 = tpu.matmul %add3A_18, %get3A_21, %dot_general3A {dimension_numbers = #tpu.dot_dimension_numbers<[1], [0], [0], [1], [0, 0, 1, 1], [], []>, transpose_lhs_hint = false} : vector<5000x128xf32>, vector<128x128xf32>, vector<5000x128xf32> -> vector<5000x128xf32>
    %get3A_23 = arith.constant 0 : index
    %get3A_24 = arith.constant 0 : index
    %get3A_25 = vector.load %arg6[%get3A_23, %get3A_24] : memref<1x128xf32, #tpu.memory_space<vmem>>, vector<1x128xf32>
    %add3A_26 = vector.broadcast %get3A_25 : vector<1x128xf32> to vector<5000x128xf32>
    %add3A_27 = arith.addf %dot_general3A_22, %add3A_26 : vector<5000x128xf32>
    %max3A = arith.constant 0.000000e+00 : f32
    %max3A_28 = vector.broadcast %max3A : f32 to vector<5000x128xf32>
    %max3A_29 = arith.maximumf %add3A_27, %max3A_28 : vector<5000x128xf32>
    %get3A_30 = arith.constant 0 : index
    %get3A_31 = arith.constant 0 : index
    %get3A_32 = vector.load %arg7[%get3A_30, %get3A_31] : memref<128x128xf32, #tpu.memory_space<vmem>>, vector<128x128xf32>
    %dot_general3A_33 = arith.constant dense<0.000000e+00> : vector<5000x128xf32>
    %dot_general3A_34 = tpu.matmul %max3A_29, %get3A_32, %dot_general3A_33 {dimension_numbers = #tpu.dot_dimension_numbers<[1], [0], [0], [1], [0, 0, 1, 1], [], []>, transpose_lhs_hint = false} : vector<5000x128xf32>, vector<128x128xf32>, vector<5000x128xf32> -> vector<5000x128xf32>
    %get3A_35 = arith.constant 0 : index
    %get3A_36 = arith.constant 0 : index
    %get3A_37 = vector.load %arg8[%get3A_35, %get3A_36] : memref<1x128xf32, #tpu.memory_space<vmem>>, vector<1x128xf32>
    %add3A_38 = vector.broadcast %get3A_37 : vector<1x128xf32> to vector<5000x128xf32>
    %add3A_39 = arith.addf %dot_general3A_34, %add3A_38 : vector<5000x128xf32>
    %max3A_40 = arith.constant 0.000000e+00 : f32
    %max3A_41 = vector.broadcast %max3A_40 : f32 to vector<5000x128xf32>
    %max3A_42 = arith.maximumf %add3A_39, %max3A_41 : vector<5000x128xf32>
    %swap3A = arith.constant 0 : index
    %swap3A_43 = arith.constant 0 : index
    %swap3A_44 = vector.load %arg9[%swap3A, %swap3A_43] : memref<5000x128xf32, #tpu.memory_space<vmem>>, vector<5000x128xf32>
    tpu.vector_store %arg9[%swap3A, %swap3A_43], %max3A_42 {strides = array<i32>} : memref<5000x128xf32, #tpu.memory_space<vmem>>, vector<5000x128xf32>,
    return
  }
  func.func @transform_0(%arg0: i32) -> (i32, i32) {
    %c0_i32 = arith.constant 0 : i32
    %c0_i32_0 = arith.constant 0 : i32
    %c0_i32_1 = arith.constant 0 : i32
    return %c0_i32, %c0_i32_0 : i32, i32
  }
  func.func @transform_1(%arg0: i32) -> (i32, i32) {
    %c0_i32 = arith.constant 0 : i32
    %c0_i32_0 = arith.constant 0 : i32
    return %arg0, %c0_i32 : i32, i32
  }
  func.func @transform_2(%arg0: i32) -> (i32, i32, i32) {
    %c0_i32 = arith.constant 0 : i32
    %c0_i32_0 = arith.constant 0 : i32
    %c0_i32_1 = arith.constant 0 : i32
    return %c0_i32, %arg0, %c0_i32_0 : i32, i32, i32
  }
  func.func @transform_3(%arg0: i32) -> (i32, i32, i32) {
    %c1_i32 = arith.constant 1 : i32
    %c0_i32 = arith.constant 0 : i32
    %c0_i32_0 = arith.constant 0 : i32
    return %c1_i32, %arg0, %c0_i32 : i32, i32, i32
  }
  func.func @transform_4(%arg0: i32) -> (i32, i32) {
    %c0_i32 = arith.constant 0 : i32
    %c0_i32_0 = arith.constant 0 : i32
    %c0_i32_1 = arith.constant 0 : i32
    return %c0_i32, %c0_i32_0 : i32, i32
  }
  func.func @transform_5(%arg0: i32) -> (i32, i32) {
    %c0_i32 = arith.constant 0 : i32
    %c0_i32_0 = arith.constant 0 : i32
    %c0_i32_1 = arith.constant 0 : i32
    return %c0_i32, %c0_i32_0 : i32, i32
  }
  func.func @transform_6(%arg0: i32) -> (i32, i32) {
    %c0_i32 = arith.constant 0 : i32
    %c0_i32_0 = arith.constant 0 : i32
    %c0_i32_1 = arith.constant 0 : i32
    return %c0_i32, %c0_i32_0 : i32, i32
  }
  func.func @transform_7(%arg0: i32) -> (i32, i32) {
    %c0_i32 = arith.constant 0 : i32
    %c0_i32_0 = arith.constant 0 : i32
    %c0_i32_1 = arith.constant 0 : i32
    return %c0_i32, %c0_i32_0 : i32, i32
  }
  func.func @transform_8(%arg0: i32) -> (i32, i32) {
    %c0_i32 = arith.constant 0 : i32
    %c0_i32_0 = arith.constant 0 : i32
    return %arg0, %c0_i32 : i32, i32
  }
}

</mosaic_0001>

<sc_bundles>
// kernel: kernel.4.cloned.1.call-start
scs
__scs_entry_jumppad:
0x0: {  	(pc) =	sbr.rel $0x88, $3  }
0x1: {  	(tag) =	ssettag $0x0;
	lr =	simm.s32 $0x1  }
0x2: {  	[smem:$0x3F9A] =	sst lr;
	_ =	strace $0xD0000000  }
0x3: {  	_ = 	snop  }
0x4: {  	_ = 	snop  }
0x5: {  	_ = 	snop  }
0x6: {  	_ = 	snop  }
0x7: {  	_ = 	snop  }
__scs_overlays_trampoline_lowered:
0x8: {  	[smem:$0x3FA9] =	sst s0  }
0x9: {  	[smem:$0x3FAA] =	sst s1  }
0xa: {  	[smem:$0x3FAB] =	sst s2  }
0xb: {  	[smem:$0x3FAC] =	sst s3  }
0xc: {  	[smem:$0x3FAD] =	sst s4  }
0xd: {  	[smem:$0x3FAE] =	sst s5  }
0xe: {  	[smem:$0x3FAF] =	sst s6  }
0xf: {  	[smem:$0x3FB0] =	sst s7  }
0x10: {  	[smem:$0x3FB1] =	sst s8  }
0x11: {  	[smem:$0x3FB2] =	sst s9;
	s0 =	simm.s32 @!p0 $0x0  }
0x12: {  	s1 =	sld [smem:$0x3F98];
	s0 =	simm.s32 @p0 $0x1  }
0x13: {  	[smem:$0x3FB3] =	sst s0;
	s0 =	simm.s32 @!p1 $0x0  }
0x14: {  	s2 =	sld [smem:$0x3F97];
	s0 =	simm.s32 @p1 $0x1  }
0x15: {  	[smem:$0x3FB4] =	sst s0;
	s0 =	simm.s32 @!p2 $0x0  }
0x16: {  	s3 =	sld [smem:$0x3FDB];
	s0 =	simm.s32 @p2 $0x1  }
0x17: {  	s4 =	simm.s32 $0x1BF5;
	[smem:$0x3FB6] =	sst s0  }
0x18: {  	s0 =	sld [smem:$0x3F99];
	_ =	swait.ge [sflag:s4], $0x0  }
0x19: {  	s7 =	sld [smem:$0x3F9A]  }
0x1a: {  	s8 =	sadd.s32 $0xFFFFE003, lr  }
0x1b: {  	s9 =	sadd.s32 $0xFFFFFEF7, lr;
	s5 =	simm.s32 $0xFFFFFFFF;
	p2 =	slt.u32 s8, $0xFFFFF086  }
0x1c: {  	p1 =	slt.u32 s9, $0xF7A;
	s5 =	simm.s32 @!p2 $0x0  }
0x1d: {  	s5 =	simm.s32 @p1 $0x1;
	p0 =	seq.s32 s7, s2  }
0x1e: {  	s7 =	smul.u32 @!p0 $0xF7A, s2;
	p2 =	seq.s32 @!p0 s5, $0x0  }
0x1f: {  	s9 =	smul.u32 $0xF7A, s1;
	s8 =	simm.s32 @!p0 $0x1BF5;
	p2 =	por !p2, p0  }
0x20: {  	[sflag:s8] =	ssyncset.s32 @!p0 $0xFFFFF086;
	s6 =	sadd.s32 @!p0 s3, s7;
	s7 =	simm.s32 @!p0 $0x108  }
0x21: {  	s3 =	sadd.s32 s3, s9;
	s6 =	sadd.s32 @!p0 $0x88, s6;
	s7 =	simm.s32 @p2 $0x1082  }
0x22: {  	[simem:s7], [sflag:s8] =	dma.local @!p0 [hbm:s6], $0xF7A  }
0x23: {  	s9 =	sor.u32 $0xD0000000, s2;
	s6 =	simm.s32 $0x108;
	_ =	swait.ge @!p0 [sflag:s8], $0x0  }
0x24: {  	s3 =	sadd.s32 $0x88, s3;
	s6 =	simm.s32 @!p1 $0x1082;
	[sflag:s4] =	ssyncset.s32 $0xFFFFF086  }
0x25: {  	[simem:s6], [sflag:s4] =	dma.local [hbm:s3], $0xF7A  }
0x26: {  	[smem:$0x3F9A] =	sst s1;
	(tag) =	ssettag s2;
	_ =	strace s9  }
0x27: {  	s1 =	sld [smem:$0x3FAA]  }
0x28: {  	s2 =	sld [smem:$0x3FAB]  }
0x29: {  	s4 =	sld [smem:$0x3FAD]  }
0x2a: {  	p0 =	seq.s32 s5, $0x0;
	s5 =	sld [smem:$0x3FAE]  }
0x2b: {  	s6 =	sld [smem:$0x3FAF]  }
0x2c: {  	s7 =	sld [smem:$0x3FB0]  }
0x2d: {  	s3 =	simm.s32 $0x108;
	s8 =	sld [smem:$0x3FB1]  }
0x2e: {  	s3 =	simm.s32 @!p0 $0x1082;
	s9 =	sld [smem:$0x3FB2]  }
0x2f: {  	lr =	sadd.s32 s0, s3;
	s0 =	sld [smem:$0x3FA9]  }
0x30: {  	s3 =	sld [smem:$0x3FAC]  }
0x31: {  	[smem:$0x3FB5] =	sst s10  }
0x32: {  	s10 =	sld [smem:$0x3FB3];
	_ =	sdelay $0x3  }
0x33: {  	p0 =	seq.s32 s10, $0x1;
	s10 =	sld [smem:$0x3FB5];
	_ =	sdelay $0x3  }
0x34: {  	[smem:$0x3FB5] =	sst s10  }
0x35: {  	s10 =	sld [smem:$0x3FB4];
	_ =	sdelay $0x3  }
0x36: {  	p1 =	seq.s32 s10, $0x1;
	s10 =	sld [smem:$0x3FB5];
	_ =	sdelay $0x3  }
0x37: {  	[smem:$0x3FB5] =	sst s10  }
0x38: {  	s10 =	sld [smem:$0x3FB6]  }
0x39: {  	_ = 	snop;
	(pc) =	sbr.ind lr, $3  }
0x3a: {  	_ = 	snop  }
0x3b: {  	_ = 	snop  }
0x3c: {  	p2 =	seq.s32 s10, $0x1;
	s10 =	sld [smem:$0x3FB5]  }
0x3d: {  	_ =	shalt  }
0x3e: {  	_ =	shalt  }
0x3f: {  	_ =	shalt  }
0x40: {  	_ =	shalt  }
0x41: {  	_ =	shalt  }
0x42: {  	_ =	shalt  }
0x43: {  	_ =	shalt  }
0x44: {  	_ =	shalt  }
0x45: {  	_ =	shalt  }
0x46: {  	_ =	shalt  }
0x47: {  	_ =	shalt  }
0x48: {  	_ =	shalt  }
0x49: {  	_ =	shalt  }
0x4a: {  	_ =	shalt  }
0x4b: {  	_ =	shalt  }
0x4c: {  	_ =	shalt  }
0x4d: {  	_ =	shalt  }
0x4e: {  	_ =	shalt  }
0x4f: {  	_ =	shalt  }
0x50: {  	_ =	shalt  }
0x51: {  	_ =	shalt  }
0x52: {  	_ =	shalt  }
0x53: {  	_ =	shalt  }
0x54: {  	_ =	shalt  }
0x55: {  	_ =	shalt  }
0x56: {  	_ =	shalt  }
0x57: {  	_ =	shalt  }
0x58: {  	_ =	shalt  }
0x59: {  	_ =	shalt  }
0x5a: {  	_ =	shalt  }
0x5b: {  	_ =	shalt  }
0x5c: {  	_ =	shalt  }
0x5d: {  	_ =	shalt  }
0x5e: {  	_ =	shalt  }
0x5f: {  	_ =	shalt  }
0x60: {  	_ =	shalt  }
0x61: {  	_ =	shalt  }
0x62: {  	_ =	shalt  }
0x63: {  	_ =	shalt  }
0x64: {  	_ =	shalt  }
0x65: {  	_ =	shalt  }
0x66: {  	_ =	shalt  }
0x67: {  	_ =	shalt  }
0x68: {  	_ =	shalt  }
0x69: {  	_ =	shalt  }
0x6a: {  	_ =	shalt  }
0x6b: {  	_ =	shalt  }
0x6c: {  	_ =	shalt  }
0x6d: {  	_ =	shalt  }
0x6e: {  	_ =	shalt  }
0x6f: {  	_ =	shalt  }
0x70: {  	_ =	shalt  }
0x71: {  	_ =	shalt  }
0x72: {  	_ =	shalt  }
0x73: {  	_ =	shalt  }
0x74: {  	_ =	shalt  }
0x75: {  	_ =	shalt  }
0x76: {  	_ =	shalt  }
0x77: {  	_ =	shalt  }
0x78: {  	_ =	shalt  }
0x79: {  	_ =	shalt  }
0x7a: {  	_ =	shalt  }
0x7b: {  	_ =	shalt  }
0x7c: {  	_ =	shalt  }
0x7d: {  	_ =	shalt  }
0x7e: {  	_ =	shalt  }
0x7f: {  	_ =	shalt  }
0x80: {  	_ =	shalt  }
0x81: {  	_ =	shalt  }
0x82: {  	_ =	shalt  }
0x83: {  	_ =	shalt  }
0x84: {  	_ =	shalt  }
0x85: {  	_ =	shalt  }
0x86: {  	_ =	shalt  }
0x87: {  	_ =	shalt  }
.Lfunc_end0:
.L_simem_size_0:
called_computation_lowered:
.L_overlay_start_0:
0x88: {  	s2 =	sld [smem:$0x3FD9]  }
0x89: {  	s3 =	sld [smem:$0x3FFE];
	_ =	sdelay $0x1  }
0x8a: {  	s1 =	srdreg.scid  }
0x8b: {  	s0 =	sand.u32 $0x1, s1  }
0x8c: {  	s17 =	sshll.u32 s0, $0xA;
	s2 =	sadd.s32 s3, s2  }
0x8d: {  	s2 =	sadd.s32 s2, s17  }
0x8e: {  	[smem:$0x3FC1] =	sst s2  }
0x8f: {  	_ = 	snop  }
0x90: {  	s2 =	sld [smem:$0x3FC9]  }
0x91: {  	s18 =	sld [smem:$0x3FD0];
	(tm) =	ssettm $0x1  }
0x92: {  	s4 =	sld [smem:$0x3FFB];
	_ =	sdelay $0x3  }
0x93: {  	_ =	strace s4  }
0x94: {  	s4 =	sld [smem:$0x3FFC];
	_ =	sdelay $0x3  }
0x95: {  	_ =	strace s4  }
0x96: {  	s4 =	sld [smem:$0x3FFD];
	_ =	sdelay $0x3  }
0x97: {  	_ =	strace s4  }
0x98: {  	_ =	strace $0x8FFFFFFF  }
0x99: {  	s19 =	sld [smem:$0x3FDB];
	_ =	sdelay $0x1  }
0x9a: {  	s5 =	simm.s32 $_scs_section_size  }
0x9b: {  	s6 =	simm.s32 $_size__tile_overlayer_lowered;
	s7 =	simm.s32 $_tile_overlayer_lowered  }
0x9c: {  	s22 =	simm.s32 $0x1BFF;
	s21 =	sshll.u32 s7, $0x1;
	s4 =	sadd.s32 s5, s19  }
0x9d: {  	s8 =	simm.s32 $0x0;
	s20 =	sshll.u32 s6, $0x1;
	s6 =	sadd.s32 s21, s4  }
0x9e: {  	[timem:s8], [sflag:s22] =	dma.local [hbm:s6], s20  }
0x9f: {  	_ =	swait.ge [sflag:s22], s20  }
0xa0: {  	s5 =	ssub.s32 $0x0, s20;
	[sflag:s22] =	ssyncset.done $0x0  }
0xa1: {  	[sflag:s22] =	ssyncadd.s32 s5;
	_ =	sdelay $0x1  }
0xa2: {  	s23 =	simm.s32 $0x1B8B  }
0xa3: {  	_ =	swait.ge [sflag:s23], $0x1  }
0xa4: {  	[sflag:s23] =	ssyncset.done $0x0  }
0xa5: {  	s25 =	simm.s32 $0x1B8E;
	s24 =	sld [smem:$0x3FFE];
	[sflag:s23] =	ssyncadd.s32 $0xFFFFFFFF  }
0xa6: {  	s26 =	simm.s32 $execute0_lowered;
	[smem:$0x3FD2] =	sst s25  }
0xa7: {  	s6 =	sshll.u32 s26, $0x1;
	_ =	strace $0x80000046;
	[dreg:$0x1] =	wrdreg $0xFFFFFFFF  }
0xa8: {  	s28 =	simm.s32 $_size_execute0_lowered;
	s4 =	sadd.s32 s4, s6;
	[dreg:$0x0] =	wrdreg $0x0  }
0xa9: {  	s6 =	sshll.u32 s28, $0x1;
	[dreg:$0x2] =	wrdreg s4  }
0xaa: {  	[dreg:$0x3] =	wrdreg s6  }
0xab: {  	[dreg:$0x4] =	wrdreg $0xC0  }
0xac: {  	_ =	task [dreg:s8], $0x5FFFF  }
0xad: {  	[dreg:$0x1] =	wrdreg $0xFFFFFFFF  }
0xae: {  	[dreg:$0x0] =	wrdreg $0x60  }
0xaf: {  	[dreg:$0x2] =	wrdreg s2  }
0xb0: {  	[dreg:$0x3] =	wrdreg s18  }
0xb1: {  	[dreg:$0x4] =	wrdreg s24  }
0xb2: {  	[dreg:$0x5] =	wrdreg $0xAA000  }
0xb3: {  	[dreg:$0x6] =	wrdreg $0x9  }
0xb4: {  	_ =	task.clear_ibuf [dreg:s8], $0x7FFFF;
	_ =	strace $0x90000046  }
0xb5: {  	s29 =	simm.s32 $0x9;
	_ =	strace $0x8000004B  }
0xb6: {  	_ =	swait.ge [sflag:s29], $0x1  }
0xb7: {  	[sflag:s29] =	ssyncadd.s32 $0xFFFFFFFF  }
0xb8: {  	_ =	strace $0x9000004B  }
0xb9: {  	_ =	sfence  }
0xba: {  	s30 =	sld [smem:$0x0];
	_ =	sdelay $0x2  }
0xbb: {  	s31 =	sshll.u32 s1, $0xD;
	s1 =	sshrl.u32 s1, $0x2  }
0xbc: {  	s3 =	sand.u32 $0x4000, s31;
	s1 =	sadd.s32 s1, s30  }
0xbd: {  	s0 =	sor.u32 s3, s0;
	s1 =	sshll.u32 s1, $0x11  }
0xbe: {  	s0 =	sor.u32 s1, s0  }
0xbf: {  	s0 =	sadd.s32 $0x8F2B, s0  }
0xc0: {  	[sflag:s0] =	ssyncadd.remote.s32 $0x1  }
0xc1: {  	_ =	sfence.sel $0xFFFF  }
0xc2: {  	[dreg:$0x0] =	wrdreg $0xFFFFFFFF;
	(pc) =	sbr.abs _section_cstart, $3  }
0xc3: {  	[dreg:$0x1] =	wrdreg $0xFFFFFFFF  }
0xc4: {  	_ =	task.clear_ibuf [dreg:s8], $0x2FFFF;
	_ =	strace $0x9FFFFFFF  }
0xc5: {  	(tm) =	ssettm $0x7FFFFFFF  }
tec
execute0_lowered:
.L_overlay_start_1:
0x0: {  	(tag) =	ssettag $0x1  }
0x1: {  	s1 =	rddreg [dreg:$0x0]  }
0x2: {  	s5 =	rddreg [dreg:$0x1]  }
0x3: {  	s6 =	rddreg [dreg:$0x2]  }
0x4: {  	s3 =	rddreg [dreg:$0x3]  }
0x5: {  	s0 =	rddreg [dreg:$0x4];
	s2 =	stileid.u32  }
0x6: {  	s7 =	srdreg.scid;
	s4 =	simm.s32 $0x0;
	s13 =	simm.s32 $0x2900  }
0x7: {  	s14 =	simm.s32 $0x6A00;
	s17 =	simm.s32 $0x1;
	s18 =	simm.s32 $0x2880  }
0x8: {  	s19 =	simm.s32 $0x2;
	s20 =	simm.s32 $0x2980;
	s8 =	smul.u32 $0x13C00, s2  }
0x9: {  	s21 =	simm.s32 $0x0;
	s7 =	sand.u32 $0x1, s7;
	s29 =	smul.u32 $0x4F000, s2  }
0xa: {  	[smem:$0x7FF] =	sst s4;
	s15 =	sshll.u32 s2, $0x6;
	s9 =	smul.u32 $0x13C000, s7  }
0xb: {  	s10 =	sshll.u32 s7, $0x4;
	_ =	strace $0x80000047;
	s7 =	ssub.s32 $0x2, s7  }
0xc: {  	s15 =	sor.u32 $0x1C03, s15;
	s10 =	sor.u32 s2, s10;
	s11 =	sshrl.u32 s8, $0x3  }
0xd: {  	s30 =	sshrl.u32 s7, $0x1;
	s31 =	sshrl.u32 s29, $0x2;
	s8 =	sadd.s32 s8, s9  }
0xe: {  	s28 =	smul.u32 $0x500, s10;
	s11 =	sadd.s32 s11, s6;
	s12 =	ssub.s32 s7, s30  }
0xf: {  	s16 =	sadd.s32 s31, s3;
	s9 =	simm.s32 $0x3;
	s8 =	sshrl.u32 s8, $0x3  }
0x10: {  	s10 =	simm.s32 $0x80;
	s16 =	sshrl.u32 s16, $0x3;
	s8 =	sadd.s32 s8, s6  }
0x11: {  	s5 =	sadd.s32 s5, s28;
	s6 =	sadd.s32 $0x1400, s11;
	s11 =	simm.s32 $0x2800  }
0x12: {  	s7 =	sadd.s32 $0x28C00, s8;
	s8 =	smax.u32 s12, $0x1;
	s12 =	simm.s32 $0x2A00  }
.LBB2_1:
0x13: {  	_ =	strace $0x80000048  }
0x14: {  	[tilespmem:s4], [sflag:$0x3] =	stream.linear.gather [hbm4b:s5+s4], $0x2800, $0x200038;
	[tilespmem:$0x1E600] =	vst v63  }
0x15: {  	_ =	swait.ge [sflag:s9], $0x2800  }
0x16: {  	[sflag:s9] =	ssyncset.done $0x0  }
0x17: {  	[sflag:s9] =	ssyncadd.s32 $0xFFFFD800  }
0x18: {  	v0 =	vld [tilespmem:$0x0];
	_ =	sdelay $0x1  }
0x19: {  	v1 =	vld [tilespmem:$0x10];
	_ =	sdelay $0x1  }
0x1a: {  	v2 =	vld [tilespmem:$0x20]  }
0x1b: {  	v3 =	vand.u32 $0xFFFF, v0  }
0x1c: {  	v6 =	vld [tilespmem:$0x30];
	v0 =	vshrl.u32 v0, $0x10;
	[tilespmem:$0x2800] =	vst v3  }
0x1d: {  	v7 =	vand.u32 $0xFFFF, v1;
	[tilespmem:$0x2880] =	vst v0  }
0x1e: {  	v9 =	vld [tilespmem:$0x40];
	v8 =	vshrl.u32 v1, $0x10;
	[tilespmem:$0x2810] =	vst v7  }
0x1f: {  	v10 =	vand.u32 $0xFFFF, v2;
	[tilespmem:$0x2890] =	vst v8  }
0x20: {  	v12 =	vld [tilespmem:$0x50];
	v11 =	vshrl.u32 v2, $0x10;
	[tilespmem:$0x2820] =	vst v10  }
0x21: {  	v13 =	vand.u32 $0xFFFF, v6;
	[tilespmem:$0x28A0] =	vst v11  }
0x22: {  	v15 =	vld [tilespmem:$0x60];
	v14 =	vshrl.u32 v6, $0x10;
	[tilespmem:$0x2830] =	vst v13  }
0x23: {  	v16 =	vand.u32 $0xFFFF, v9;
	[tilespmem:$0x28B0] =	vst v14  }
0x24: {  	v18 =	vld [tilespmem:$0x70];
	v17 =	vshrl.u32 v9, $0x10;
	[tilespmem:$0x2840] =	vst v16  }
0x25: {  	v19 =	vand.u32 $0xFFFF, v12;
	[tilespmem:$0x28C0] =	vst v17  }
0x26: {  	v20 =	vshrl.u32 v12, $0x10;
	[tilespmem:$0x2850] =	vst v19  }
0x27: {  	v21 =	vand.u32 $0xFFFF, v15;
	[tilespmem:$0x28D0] =	vst v20  }
0x28: {  	v22 =	vshrl.u32 v15, $0x10;
	[tilespmem:$0x2860] =	vst v21  }
0x29: {  	v23 =	vand.u32 $0xFFFF, v18;
	[tilespmem:$0x28E0] =	vst v22  }
0x2a: {  	v24 =	vshrl.u32 v18, $0x10;
	[tilespmem:$0x2870] =	vst v23  }
0x2b: {  	[tilespmem:$0x28F0] =	vst v24  }
0x2c: {  	[tilespmem:s12], [sflag:$0x1] =	stream.indirect.gather [hbm4b:s1+s10], $0x80, s11, s10, $0x2000b8;
	[tilespmem:$0x1E600] =	vst v63  }
0x2d: {  	v25 =	vld [tilespmem:$0x80];
	_ =	sdelay $0x1  }
0x2e: {  	v26 =	vld [tilespmem:$0x90];
	_ =	sdelay $0x1  }
0x2f: {  	v27 =	vld [tilespmem:$0xA0]  }
0x30: {  	v28 =	vand.u32 $0xFFFF, v25  }
0x31: {  	v29 =	vld [tilespmem:$0xB0];
	v0 =	vshrl.u32 v25, $0x10;
	[tilespmem:$0x2900] =	vst v28  }
0x32: {  	v30 =	vand.u32 $0xFFFF, v26;
	[tilespmem:$0x2980] =	vst v0  }
0x33: {  	v32 =	vld [tilespmem:$0xC0];
	v31 =	vshrl.u32 v26, $0x10;
	[tilespmem:$0x2910] =	vst v30  }
0x34: {  	v33 =	vand.u32 $0xFFFF, v27;
	[tilespmem:$0x2990] =	vst v31  }
0x35: {  	v35 =	vld [tilespmem:$0xD0];
	v34 =	vshrl.u32 v27, $0x10;
	[tilespmem:$0x2920] =	vst v33  }
0x36: {  	v36 =	vand.u32 $0xFFFF, v29;
	[tilespmem:$0x29A0] =	vst v34  }
0x37: {  	v38 =	vld [tilespmem:$0xE0];
	v37 =	vshrl.u32 v29, $0x10;
	[tilespmem:$0x2930] =	vst v36  }
0x38: {  	v39 =	vand.u32 $0xFFFF, v32;
	[tilespmem:$0x29B0] =	vst v37  }
0x39: {  	v41 =	vld [tilespmem:$0xF0];
	v40 =	vshrl.u32 v32, $0x10;
	[tilespmem:$0x2940] =	vst v39  }
0x3a: {  	v42 =	vand.u32 $0xFFFF, v35;
	[tilespmem:$0x29C0] =	vst v40  }
0x3b: {  	v43 =	vshrl.u32 v35, $0x10;
	[tilespmem:$0x2950] =	vst v42  }
0x3c: {  	v44 =	vand.u32 $0xFFFF, v38;
	[tilespmem:$0x29D0] =	vst v43  }
0x3d: {  	v45 =	vshrl.u32 v38, $0x10;
	[tilespmem:$0x2960] =	vst v44  }
0x3e: {  	v46 =	vand.u32 $0xFFFF, v41;
	[tilespmem:$0x29E0] =	vst v45  }
0x3f: {  	v47 =	vshrl.u32 v41, $0x10;
	[tilespmem:$0x2970] =	vst v46  }
0x40: {  	[tilespmem:$0x29F0] =	vst v47  }
0x41: {  	[tilespmem:s14], [sflag:$0x2] =	stream.indirect.gather [hbm4b:s1+s10], $0x80, s13, s10, $0x2000b8;
	[tilespmem:$0x1E600] =	vst v63  }
0x42: {  	[spmem:s16], [sflag:s15] =	dma.local [hbm:s6], $0x2780  }
0x43: {  	_ =	swait.ge [sflag:s9], $0x2780  }
0x44: {  	[sflag:s9] =	ssyncset.done $0x0  }
0x45: {  	[sflag:s9] =	ssyncadd.s32 $0xFFFFD880  }
0x46: {  	[bflag:$0x0] =	sbarrier.arrive $0xFFFF  }
0x47: {  	_ =	strace $0x90000048  }
0x48: {  	_ =	strace $0x80000049  }
0x49: {  	_ =	swait.ge [sflag:s17], $0x4000  }
0x4a: {  	[sflag:s17] =	ssyncset.done $0x0  }
0x4b: {  	[sflag:s17] =	ssyncadd.s32 $0xFFFFC000  }
0x4c: {  	[spmem:s3] =	stream.indirect.scatter.add.f32 [tilespmem:s12], [sflag:$0x3], $0x80, s18, s10, $0x2000b8;
	[tilespmem:$0x1E600] =	vst v63  }
0x4d: {  	_ =	swait.ge [sflag:s9], $0x4000  }
0x4e: {  	s22 =	smin.u32 s4, $0x4D;
	[sflag:s9] =	ssyncset.done $0x0  }
0x4f: {  	s22 =	sshll.u32 s22, $0x7;
	[sflag:s9] =	ssyncadd.s32 $0xFFFFC000  }
0x50: {  	v48 =	vld [tilespmem:s22+$0x100];
	_ =	sdelay $0x4  }
0x51: {  	v49 =	vand.u32 $0xFFFF, v48  }
0x52: {  	v0 =	vshrl.u32 v48, $0x10;
	[tilespmem:$0x2800] =	vst v49  }
0x53: {  	[tilespmem:$0x2880] =	vst v0  }
0x54: {  	v0 =	vld [tilespmem:s22+$0x110];
	_ =	sdelay $0x4  }
0x55: {  	v50 =	vand.u32 $0xFFFF, v0  }
0x56: {  	v0 =	vshrl.u32 v0, $0x10;
	[tilespmem:$0x2810] =	vst v50  }
0x57: {  	[tilespmem:$0x2890] =	vst v0  }
0x58: {  	v0 =	vld [tilespmem:s22+$0x120];
	_ =	sdelay $0x4  }
0x59: {  	v51 =	vand.u32 $0xFFFF, v0  }
0x5a: {  	v0 =	vshrl.u32 v0, $0x10;
	[tilespmem:$0x2820] =	vst v51  }
0x5b: {  	[tilespmem:$0x28A0] =	vst v0  }
0x5c: {  	v0 =	vld [tilespmem:s22+$0x130];
	_ =	sdelay $0x4  }
0x5d: {  	v52 =	vand.u32 $0xFFFF, v0  }
0x5e: {  	v0 =	vshrl.u32 v0, $0x10;
	[tilespmem:$0x2830] =	vst v52  }
0x5f: {  	[tilespmem:$0x28B0] =	vst v0  }
0x60: {  	v0 =	vld [tilespmem:s22+$0x140];
	_ =	sdelay $0x4  }
0x61: {  	v53 =	vand.u32 $0xFFFF, v0  }
0x62: {  	v0 =	vshrl.u32 v0, $0x10;
	[tilespmem:$0x2840] =	vst v53  }
0x63: {  	[tilespmem:$0x28C0] =	vst v0  }
0x64: {  	v0 =	vld [tilespmem:s22+$0x150];
	_ =	sdelay $0x4  }
0x65: {  	v54 =	vand.u32 $0xFFFF, v0  }
0x66: {  	v0 =	vshrl.u32 v0, $0x10;
	[tilespmem:$0x2850] =	vst v54  }
0x67: {  	[tilespmem:$0x28D0] =	vst v0  }
0x68: {  	v0 =	vld [tilespmem:s22+$0x160];
	_ =	sdelay $0x4  }
0x69: {  	v55 =	vand.u32 $0xFFFF, v0  }
0x6a: {  	v0 =	vshrl.u32 v0, $0x10;
	[tilespmem:$0x2860] =	vst v55  }
0x6b: {  	[tilespmem:$0x28E0] =	vst v0  }
0x6c: {  	v0 =	vld [tilespmem:s22+$0x170];
	_ =	sdelay $0x4  }
0x6d: {  	v56 =	vand.u32 $0xFFFF, v0  }
0x6e: {  	v0 =	vshrl.u32 v0, $0x10;
	[tilespmem:$0x2870] =	vst v56  }
0x6f: {  	[tilespmem:$0x28F0] =	vst v0  }
0x70: {  	[tilespmem:s12], [sflag:$0x1] =	stream.indirect.gather [hbm4b:s1+s10], $0x80, s11, s10, $0x2000b8;
	[tilespmem:$0x1E600] =	vst v63  }
0x71: {  	_ =	swait.ge [sflag:s19], $0x4000  }
0x72: {  	[sflag:s19] =	ssyncset.done $0x0  }
0x73: {  	[sflag:s19] =	ssyncadd.s32 $0xFFFFC000  }
0x74: {  	[spmem:s3] =	stream.indirect.scatter.add.f32 [tilespmem:s14], [sflag:$0x3], $0x80, s20, s10, $0x2000b8;
	[tilespmem:$0x1E600] =	vst v63  }
0x75: {  	_ =	swait.ge [sflag:s9], $0x4000  }
0x76: {  	s31 =	smin.u32 s4, $0x4C;
	[sflag:s9] =	ssyncset.done $0x0  }
0x77: {  	s23 =	sshll.u32 s31, $0x7;
	[sflag:s9] =	ssyncadd.s32 $0xFFFFC000  }
0x78: {  	v57 =	vld [tilespmem:s23+$0x180];
	_ =	sdelay $0x4  }
0x79: {  	v58 =	vand.u32 $0xFFFF, v57  }
0x7a: {  	v0 =	vshrl.u32 v57, $0x10;
	[tilespmem:$0x2900] =	vst v58  }
0x7b: {  	[tilespmem:$0x2980] =	vst v0  }
0x7c: {  	v0 =	vld [tilespmem:s23+$0x190];
	_ =	sdelay $0x4  }
0x7d: {  	v59 =	vand.u32 $0xFFFF, v0  }
0x7e: {  	v0 =	vshrl.u32 v0, $0x10;
	[tilespmem:$0x2910] =	vst v59  }
0x7f: {  	[tilespmem:$0x2990] =	vst v0  }
0x80: {  	v0 =	vld [tilespmem:s23+$0x1A0];
	_ =	sdelay $0x4  }
0x81: {  	v60 =	vand.u32 $0xFFFF, v0  }
0x82: {  	v0 =	vshrl.u32 v0, $0x10;
	[tilespmem:$0x2920] =	vst v60  }
0x83: {  	[tilespmem:$0x29A0] =	vst v0  }
0x84: {  	v0 =	vld [tilespmem:s23+$0x1B0];
	_ =	sdelay $0x4  }
0x85: {  	v61 =	vand.u32 $0xFFFF, v0  }
0x86: {  	v0 =	vshrl.u32 v0, $0x10;
	[tilespmem:$0x2930] =	vst v61  }
0x87: {  	[tilespmem:$0x29B0] =	vst v0  }
0x88: {  	v0 =	vld [tilespmem:s23+$0x1C0];
	_ =	sdelay $0x4  }
0x89: {  	v62 =	vand.u32 $0xFFFF, v0  }
0x8a: {  	v0 =	vshrl.u32 v0, $0x10;
	[tilespmem:$0x2940] =	vst v62  }
0x8b: {  	[tilespmem:$0x29C0] =	vst v0  }
0x8c: {  	v0 =	vld [tilespmem:s23+$0x1D0];
	_ =	sdelay $0x4  }
0x8d: {  	v63 =	vand.u32 $0xFFFF, v0  }
0x8e: {  	v0 =	vshrl.u32 v0, $0x10;
	[tilespmem:$0x2950] =	vst v63  }
0x8f: {  	s22 =	simm.s32 $0x2;
	[tilespmem:$0x29D0] =	vst v0  }
.LBB2_2:
0x90: {  	p0 =	sne.s32 s22, $0x4E;
	v0 =	vld [tilespmem:s23+$0x1E0];
	s24 =	smov.u32 s22;
	s22 =	sadd.s32 $0x2, s22  }
0x91: {  	_ =	sdelay $0x3  }
0x92: {  	v1 =	vand.u32 $0xFFFF, v0;
	v0 =	vshrl.u32 v0, $0x10  }
0x93: {  	[tilespmem:$0x2960] =	vst v1  }
0x94: {  	[tilespmem:$0x29E0] =	vst v0  }
0x95: {  	v0 =	vld [tilespmem:s23+$0x1F0];
	_ =	sdelay $0x4  }
0x96: {  	v1 =	vand.u32 $0xFFFF, v0;
	v0 =	vshrl.u32 v0, $0x10  }
0x97: {  	[tilespmem:$0x2970] =	vst v1  }
0x98: {  	[tilespmem:$0x29F0] =	vst v0  }
0x99: {  	[tilespmem:s14], [sflag:$0x2] =	stream.indirect.gather [hbm4b:s1+s10], $0x80, s13, s10, $0x2000b8;
	[tilespmem:$0x1E600] =	vst v63  }
0x9a: {  	_ =	swait.ge [sflag:s17], $0x4000  }
0x9b: {  	[sflag:s17] =	ssyncset.done $0x0  }
0x9c: {  	[sflag:s17] =	ssyncadd.s32 $0xFFFFC000  }
0x9d: {  	[spmem:s3] =	stream.indirect.scatter.add.f32 [tilespmem:s12], [sflag:$0x3], $0x80, s18, s10, $0x2000b8;
	[tilespmem:$0x1E600] =	vst v63  }
0x9e: {  	_ =	swait.ge [sflag:s9], $0x4000  }
0x9f: {  	s23 =	smin.u32 s24, $0x4D;
	[sflag:s9] =	ssyncset.done $0x0  }
0xa0: {  	s23 =	sshll.u32 s23, $0x7;
	[sflag:s9] =	ssyncadd.s32 $0xFFFFC000  }
0xa1: {  	v0 =	vld [tilespmem:s23+$0x100];
	_ =	sdelay $0x4  }
0xa2: {  	v1 =	vand.u32 $0xFFFF, v0;
	v0 =	vshrl.u32 v0, $0x10  }
0xa3: {  	[tilespmem:$0x2800] =	vst v1  }
0xa4: {  	[tilespmem:$0x2880] =	vst v0  }
0xa5: {  	v0 =	vld [tilespmem:s23+$0x110];
	_ =	sdelay $0x4  }
0xa6: {  	v1 =	vand.u32 $0xFFFF, v0;
	v0 =	vshrl.u32 v0, $0x10  }
0xa7: {  	[tilespmem:$0x2810] =	vst v1  }
0xa8: {  	[tilespmem:$0x2890] =	vst v0  }
0xa9: {  	v0 =	vld [tilespmem:s23+$0x120];
	_ =	sdelay $0x4  }
0xaa: {  	v1 =	vand.u32 $0xFFFF, v0;
	v0 =	vshrl.u32 v0, $0x10  }
0xab: {  	[tilespmem:$0x2820] =	vst v1  }
0xac: {  	[tilespmem:$0x28A0] =	vst v0  }
0xad: {  	v0 =	vld [tilespmem:s23+$0x130];
	_ =	sdelay $0x4  }
0xae: {  	v1 =	vand.u32 $0xFFFF, v0;
	v0 =	vshrl.u32 v0, $0x10  }
0xaf: {  	[tilespmem:$0x2830] =	vst v1  }
0xb0: {  	[tilespmem:$0x28B0] =	vst v0  }
0xb1: {  	v0 =	vld [tilespmem:s23+$0x140];
	_ =	sdelay $0x4  }
0xb2: {  	v1 =	vand.u32 $0xFFFF, v0;
	v0 =	vshrl.u32 v0, $0x10  }
0xb3: {  	[tilespmem:$0x2840] =	vst v1  }
0xb4: {  	[tilespmem:$0x28C0] =	vst v0  }
0xb5: {  	v0 =	vld [tilespmem:s23+$0x150];
	_ =	sdelay $0x4  }
0xb6: {  	v1 =	vand.u32 $0xFFFF, v0;
	v0 =	vshrl.u32 v0, $0x10  }
0xb7: {  	[tilespmem:$0x2850] =	vst v1  }
0xb8: {  	[tilespmem:$0x28D0] =	vst v0  }
0xb9: {  	v0 =	vld [tilespmem:s23+$0x160];
	_ =	sdelay $0x4  }
0xba: {  	v1 =	vand.u32 $0xFFFF, v0;
	v0 =	vshrl.u32 v0, $0x10  }
0xbb: {  	[tilespmem:$0x2860] =	vst v1  }
0xbc: {  	[tilespmem:$0x28E0] =	vst v0  }
0xbd: {  	v0 =	vld [tilespmem:s23+$0x170];
	_ =	sdelay $0x4  }
0xbe: {  	v1 =	vand.u32 $0xFFFF, v0;
	v0 =	vshrl.u32 v0, $0x10  }
0xbf: {  	s23 =	smin.u32 s24, $0x4C;
	[tilespmem:$0x2870] =	vst v1  }
0xc0: {  	s23 =	sshll.u32 s23, $0x7;
	[tilespmem:$0x28F0] =	vst v0  }
0xc1: {  	[tilespmem:s12], [sflag:$0x1] =	stream.indirect.gather [hbm4b:s1+s10], $0x80, s11, s10, $0x2000b8;
	[tilespmem:$0x1E600] =	vst v63  }
0xc2: {  	_ =	swait.ge [sflag:s19], $0x4000  }
0xc3: {  	[sflag:s19] =	ssyncset.done $0x0  }
0xc4: {  	[sflag:s19] =	ssyncadd.s32 $0xFFFFC000  }
0xc5: {  	[spmem:s3] =	stream.indirect.scatter.add.f32 [tilespmem:s14], [sflag:$0x3], $0x80, s20, s10, $0x2000b8;
	[tilespmem:$0x1E600] =	vst v63  }
0xc6: {  	_ =	swait.ge [sflag:s9], $0x4000  }
0xc7: {  	[sflag:s9] =	ssyncset.done $0x0  }
0xc8: {  	[sflag:s9] =	ssyncadd.s32 $0xFFFFC000  }
0xc9: {  	v0 =	vld [tilespmem:s23+$0x180];
	_ =	sdelay $0x4  }
0xca: {  	v1 =	vand.u32 $0xFFFF, v0;
	v0 =	vshrl.u32 v0, $0x10  }
0xcb: {  	[tilespmem:$0x2900] =	vst v1  }
0xcc: {  	[tilespmem:$0x2980] =	vst v0  }
0xcd: {  	v0 =	vld [tilespmem:s23+$0x190];
	_ =	sdelay $0x4  }
0xce: {  	v1 =	vand.u32 $0xFFFF, v0;
	v0 =	vshrl.u32 v0, $0x10  }
0xcf: {  	[tilespmem:$0x2910] =	vst v1  }
0xd0: {  	[tilespmem:$0x2990] =	vst v0  }
0xd1: {  	v0 =	vld [tilespmem:s23+$0x1A0];
	_ =	sdelay $0x4  }
0xd2: {  	v1 =	vand.u32 $0xFFFF, v0;
	v0 =	vshrl.u32 v0, $0x10  }
0xd3: {  	[tilespmem:$0x2920] =	vst v1  }
0xd4: {  	[tilespmem:$0x29A0] =	vst v0  }
0xd5: {  	v0 =	vld [tilespmem:s23+$0x1B0];
	_ =	sdelay $0x4  }
0xd6: {  	v1 =	vand.u32 $0xFFFF, v0;
	v0 =	vshrl.u32 v0, $0x10  }
0xd7: {  	[tilespmem:$0x2930] =	vst v1  }
0xd8: {  	[tilespmem:$0x29B0] =	vst v0  }
0xd9: {  	v0 =	vld [tilespmem:s23+$0x1C0];
	_ =	sdelay $0x4  }
0xda: {  	v1 =	vand.u32 $0xFFFF, v0;
	v0 =	vshrl.u32 v0, $0x10  }
0xdb: {  	[tilespmem:$0x2940] =	vst v1  }
0xdc: {  	[tilespmem:$0x29C0] =	vst v0  }
0xdd: {  	v0 =	vld [tilespmem:s23+$0x1D0];
	_ =	sdelay $0x2  }
.Ltmp0:
0xde: {  	(pc) =	sbr.rel @p0 .LBB2_2-.Ltmp0, $4  }
0xdf: {  	_ = 	snop  }
0xe0: {  	v1 =	vand.u32 $0xFFFF, v0;
	v0 =	vshrl.u32 v0, $0x10  }
0xe1: {  	[tilespmem:$0x2950] =	vst v1  }
0xe2: {  	[tilespmem:$0x29D0] =	vst v0  }
0xe3: {  	v0 =	vld [tilespmem:s23+$0x1E0];
	_ =	sdelay $0x4  }
0xe4: {  	v1 =	vand.u32 $0xFFFF, v0  }
0xe5: {  	v0 =	vshrl.u32 v0, $0x10;
	[tilespmem:$0x2960] =	vst v1  }
0xe6: {  	[tilespmem:$0x29E0] =	vst v0  }
0xe7: {  	v0 =	vld [tilespmem:s23+$0x1F0];
	_ =	sdelay $0x4  }
0xe8: {  	v63 =	vand.u32 $0xFFFF, v0  }
0xe9: {  	v0 =	vshrl.u32 v0, $0x10;
	[tilespmem:$0x2970] =	vst v63  }
0xea: {  	[tilespmem:$0x29F0] =	vst v0  }
0xeb: {  	[tilespmem:s14], [sflag:$0x2] =	stream.indirect.gather [hbm4b:s1+s10], $0x80, s13, s10, $0x2000b8;
	[tilespmem:$0x1E600] =	vst v63  }
0xec: {  	_ =	swait.ge [sflag:s17], $0x4000  }
0xed: {  	[sflag:s17] =	ssyncset.done $0x0  }
0xee: {  	[sflag:s17] =	ssyncadd.s32 $0xFFFFC000  }
0xef: {  	_ =	swait.ge [sflag:s19], $0x4000  }
0xf0: {  	[sflag:s19] =	ssyncset.done $0x0  }
0xf1: {  	[sflag:s19] =	ssyncadd.s32 $0xFFFFC000  }
0xf2: {  	[bflag:$0x0] =	sbarrier.arrive $0xFFFF  }
0xf3: {  	s21 =	sadd.s32 $0x1, s21;
	_ =	strace $0x90000049  }
0xf4: {  	p0 =	sne.s32 s21, s8;
	_ =	strace $0x8000004A  }
0xf5: {  	[hbm:s7], [sflag:s15] =	dma.local [spmem:s16], $0x2780  }
.Ltmp1:
0xf6: {  	_ = 	snop;
	(pc) =	sbr.rel @p0 .LBB2_1-.Ltmp1, $4  }
0xf7: {  	_ =	swait.ge [sflag:s9], $0x2780  }
0xf8: {  	[sflag:s9] =	ssyncset.done $0x0  }
0xf9: {  	[sflag:s9] =	ssyncadd.s32 $0xFFFFD880  }
0xfa: {  	_ =	strace $0x9000004A  }
0xfb: {  	_ =	sfence.sel $0x180000  }
0xfc: {  	[bflag:$0x0] =	sbarrier.arrive $0xFFFF  }
0xfd: {  	p0 =	sne.s32 s2, $0x0;
	_ =	strace $0x90000047  }
0xfe: {  	s0 =	sadd.s32 @!p0 $0x100000, s0;
	[bflag:$0x2] =	sbarrier.arrive $0xFFFF  }
0xff: {  	[sflag:s0] =	ssyncadd.tile.s32 @!p0 $0x1;
	_ =	shalt  }
.Lfunc_end2:
_tile_overlayer_lowered:
.L_overlay_start_2:
0x100: {  	(tag) =	ssettag $0x2  }
0x101: {  	s0 =	rddreg [dreg:$0x0];
	s2 =	stileid.u32  }
0x102: {  	s1 =	rddreg [dreg:$0x1];
	p0 =	sne.s32 s2, $0x0  }
0x103: {  	s3 =	rddreg [dreg:$0x2];
	[bflag:$0x3] =	sbarrier.arrive $0xFFFF;
	s2 =	simm.s32 @!p0 $0x1C03  }
0x104: {  	[timem:s3], [sflag:s2] =	dma.local @!p0 [hbm:s0], s1  }
0x105: {  	s0 =	simm.s32 @!p0 $0x3  }
0x106: {  	_ =	swait.ge @!p0 [sflag:s0], s1  }
0x107: {  	s1 =	ssub.s32 @!p0 $0x0, s1;
	[sflag:s0] =	ssyncset.done @!p0 $0x0  }
0x108: {  	[sflag:s0] =	ssyncadd.s32 @!p0 s1  }
0x109: {  	[bflag:$0x3] =	sbarrier.arrive $0xFFFF  }
0x10a: {  	_ =	shalt  }

</sc_bundles>
